<compile_context>
chip_gen: v7x
topology: tpu7x:2x2x1
jax: 0.10.2.dev20260603
libtpu: 0.0.44.dev20260713+nightly
codegen_flags: <defaults>
</compile_context>

<pallas_src>
import functools

import jax
import jax.numpy as jnp
from jax import lax
from jax.experimental import pallas as pl
from jax.experimental.pallas import tpu as pltpu
from jax.experimental.pallas import tpu_sc as plsc

_MAX_RECENCY = 1000
_R_SIZE = 64
_BATCH = 16384

_NC = 2
_NS = 16
_L = 16
_NW = _NC * _NS
_BPW = _BATCH // _NW
_CHUNK = 128
_NCHUNK = _BPW // _CHUNK
_STAGERS = 8
_ROWS_PER_STAGER = _MAX_RECENCY // _STAGERS


def _make_kernel():
  mesh = plsc.VectorSubcoreMesh(core_axis_name="c", subcore_axis_name="s")

  @functools.partial(
      pl.kernel,
      mesh=mesh,
      out_type=jax.ShapeDtypeStruct((_BATCH, _R_SIZE), jnp.float32),
      scratch_types=[
          pltpu.VMEM((_BPW,), jnp.int32),
          pltpu.VMEM((_BPW, _R_SIZE), jnp.float32),
          pltpu.VMEM_SHARED((_MAX_RECENCY, _R_SIZE), jnp.float32),
          [pltpu.SemaphoreType.DMA] * _NCHUNK,
          [pltpu.SemaphoreType.DMA] * _NCHUNK,
          pltpu.SemaphoreType.DMA,
      ],
      compiler_params=pltpu.CompilerParams(use_tc_tiling_on_sc=False),
  )
  def emb(idx_hbm, table_hbm, out_hbm, idx_v, rows_v, table_s, isems, gsems,
          ssem):
    sid = lax.axis_index("s")
    wid = sid * _NC + lax.axis_index("c")
    base = wid * _BPW
    iloads = []
    for j in range(_NCHUNK):
      c = pl.ds(j * _CHUNK, _CHUNK)
      iloads.append(
          pltpu.async_copy(
              idx_hbm.at[pl.ds(base + j * _CHUNK, _CHUNK)], idx_v.at[c],
              isems[j]))

    @pl.when(sid < _STAGERS)
    def _stage_table():
      r = pl.ds(sid * _ROWS_PER_STAGER, _ROWS_PER_STAGER)
      pltpu.sync_copy(table_hbm.at[r], table_s.at[r])

    plsc.subcore_barrier()
    gathers = []
    for j in range(_NCHUNK):
      iloads[j].wait()
      for i in range(_CHUNK // _L):
        sl = pl.ds(j * _CHUNK + i * _L, _L)
        idx_v[sl] = jnp.minimum(idx_v[sl], _MAX_RECENCY - 1)
      c = pl.ds(j * _CHUNK, _CHUNK)
      gathers.append(
          pltpu.async_copy(table_s.at[idx_v.at[c]], rows_v.at[c], gsems[j]))
    stores = []
    for j in range(_NCHUNK):
      c = pl.ds(j * _CHUNK, _CHUNK)
      gathers[j].wait()
      stores.append(
          pltpu.async_copy(
              rows_v.at[c], out_hbm.at[pl.ds(base + j * _CHUNK, _CHUNK)],
              ssem))
    for st in stores:
      st.wait()

  return emb


_emb = _make_kernel()


def kernel(recency, table):
  return _emb(recency, table)

# --- scband reference (transcript-rebuilt; emitter-appended) ---
"""Pipeline reference for scband-recency-embedding-15418932592830 (READ-ONLY COPY).

The authoritative reference and input builder live on the scoring server;
editing this copy changes nothing except your own understanding.
"""

import jax, jax.numpy as jnp
import numpy as np

MAX_RECENCY = 1000
R_SIZE = 64
BATCH = 16384


def setup_inputs(seed: int = 0) -> dict:
    key = jax.random.key(seed)
    k1, k2 = jax.random.split(key)
    recency = jax.random.randint(k1, (BATCH,), 0, MAX_RECENCY, dtype=jnp.int64 if jax.config.jax_enable_x64 else jnp.int32).astype(jnp.int32)
    # embedding table, initialized like nn.Embedding default (N(0,1))
    table = jax.random.normal(k2, (MAX_RECENCY, R_SIZE), dtype=jnp.float32)
    return {"recency": recency, "table": table}


def reference(recency, table):
    # clamp recency to max_recency - 1 (only upper bound, matching torch.clamp(max=...))
    recency_clipped = jnp.minimum(recency, MAX_RECENCY - 1)
    # embedding lookup -> gather rows
    r = jnp.take(table, recency_clipped, axis=0)
    return r

if __name__ == "__main__":
    import jax
    _d = setup_inputs()
    print(jax.jit(kernel)(*tuple(_d.values())))

</pallas_src>

<mosaic_0001>
#map = affine_map<(d0, d1) -> (0)>
#map1 = affine_map<(d0, d1) -> (0, 0)>
module attributes {stable_mosaic.version = 14 : i64} {
  func.func @emb(%arg0: i32, %arg1: i32, %arg2: memref<16384xi32, #tpu.memory_space<hbm>>, %arg3: memref<1000x64xf32, #tpu.memory_space<hbm>>, %arg4: memref<16384x64xf32, #tpu.memory_space<hbm>>, %arg5: memref<512xi32, #tpu.memory_space<vmem>>, %arg6: memref<512x64xf32, #tpu.memory_space<vmem>>, %arg7: memref<1000x64xf32, #tpu.memory_space<vmem_shared>>, %arg8: memref<!tpu.dma_semaphore, #tpu.memory_space<semaphore_mem>>, %arg9: memref<!tpu.dma_semaphore, #tpu.memory_space<semaphore_mem>>, %arg10: memref<!tpu.dma_semaphore, #tpu.memory_space<semaphore_mem>>, %arg11: memref<!tpu.dma_semaphore, #tpu.memory_space<semaphore_mem>>, %arg12: memref<!tpu.dma_semaphore, #tpu.memory_space<semaphore_mem>>, %arg13: memref<!tpu.dma_semaphore, #tpu.memory_space<semaphore_mem>>, %arg14: memref<!tpu.dma_semaphore, #tpu.memory_space<semaphore_mem>>, %arg15: memref<!tpu.dma_semaphore, #tpu.memory_space<semaphore_mem>>, %arg16: memref<!tpu.dma_semaphore, #tpu.memory_space<semaphore_mem>>) attributes {dimension_semantics = [#tpu.dimension_semantics<core_parallel>, #tpu.dimension_semantics<subcore_parallel>], iteration_bounds = array<i64: 2, 16>, scalar_prefetch = 0 : i64, scratch_operands = 12 : i64, tpu.core_type = #tpu.core_type<sc_vector_subcore>, window_params = [{transform_indices = #map}, {transform_indices = #map1}, {transform_indices = #map1}]} {
    %mul3A = arith.constant 2 : i32
    %mul3A_0 = arith.muli %arg1, %mul3A : i32
    %add3A = arith.addi %mul3A_0, %arg0 : i32
    %mul3A_1 = arith.constant 512 : i32
    %mul3A_2 = arith.muli %add3A, %mul3A_1 : i32
    %add3A_3 = arith.constant 0 : i32
    %add3A_4 = arith.addi %mul3A_2, %add3A_3 : i32
    %dma_start3A = arith.constant 0 : i32
    %dma_start3A_5 = tpu.memref_slice %arg5[%dma_start3A] : memref<512xi32, #tpu.memory_space<vmem>> -> memref<128xi32, #tpu.memory_space<vmem>>
    %dma_start3A_6 = tpu.memref_slice %arg2[%add3A_4] : memref<16384xi32, #tpu.memory_space<hbm>> -> memref<128xi32, #tpu.memory_space<hbm>>
    %dma_start3A_7 = arith.constant 0 : i32
    %dma_start3A_8 = tpu.memref_slice %arg5[%dma_start3A_7] : memref<512xi32, #tpu.memory_space<vmem>> -> memref<128xi32, #tpu.memory_space<vmem>>
    %dma_start3A_9 = tpu.memref_slice %arg2[%add3A_4] : memref<16384xi32, #tpu.memory_space<hbm>> -> memref<128xi32, #tpu.memory_space<hbm>>
    tpu.enqueue_dma source(%dma_start3A_9 : memref<128xi32, #tpu.memory_space<hbm>>) target(%dma_start3A_8 : memref<128xi32, #tpu.memory_space<vmem>>) target_semaphore(%arg8 : memref<!tpu.dma_semaphore, #tpu.memory_space<semaphore_mem>>)
    %add3A_10 = arith.constant 128 : i32
    %add3A_11 = arith.addi %mul3A_2, %add3A_10 : i32
    %dma_start3A_12 = arith.constant 128 : i32
    %dma_start3A_13 = tpu.memref_slice %arg5[%dma_start3A_12] : memref<512xi32, #tpu.memory_space<vmem>> -> memref<128xi32, #tpu.memory_space<vmem>>
    %dma_start3A_14 = tpu.memref_slice %arg2[%add3A_11] : memref<16384xi32, #tpu.memory_space<hbm>> -> memref<128xi32, #tpu.memory_space<hbm>>
    %dma_start3A_15 = arith.constant 128 : i32
    %dma_start3A_16 = tpu.memref_slice %arg5[%dma_start3A_15] : memref<512xi32, #tpu.memory_space<vmem>> -> memref<128xi32, #tpu.memory_space<vmem>>
    %dma_start3A_17 = tpu.memref_slice %arg2[%add3A_11] : memref<16384xi32, #tpu.memory_space<hbm>> -> memref<128xi32, #tpu.memory_space<hbm>>
    tpu.enqueue_dma source(%dma_start3A_17 : memref<128xi32, #tpu.memory_space<hbm>>) target(%dma_start3A_16 : memref<128xi32, #tpu.memory_space<vmem>>) target_semaphore(%arg9 : memref<!tpu.dma_semaphore, #tpu.memory_space<semaphore_mem>>)
    %add3A_18 = arith.constant 256 : i32
    %add3A_19 = arith.addi %mul3A_2, %add3A_18 : i32
    %dma_start3A_20 = arith.constant 256 : i32
    %dma_start3A_21 = tpu.memref_slice %arg5[%dma_start3A_20] : memref<512xi32, #tpu.memory_space<vmem>> -> memref<128xi32, #tpu.memory_space<vmem>>
    %dma_start3A_22 = tpu.memref_slice %arg2[%add3A_19] : memref<16384xi32, #tpu.memory_space<hbm>> -> memref<128xi32, #tpu.memory_space<hbm>>
    %dma_start3A_23 = arith.constant 256 : i32
    %dma_start3A_24 = tpu.memref_slice %arg5[%dma_start3A_23] : memref<512xi32, #tpu.memory_space<vmem>> -> memref<128xi32, #tpu.memory_space<vmem>>
    %dma_start3A_25 = tpu.memref_slice %arg2[%add3A_19] : memref<16384xi32, #tpu.memory_space<hbm>> -> memref<128xi32, #tpu.memory_space<hbm>>
    tpu.enqueue_dma source(%dma_start3A_25 : memref<128xi32, #tpu.memory_space<hbm>>) target(%dma_start3A_24 : memref<128xi32, #tpu.memory_space<vmem>>) target_semaphore(%arg10 : memref<!tpu.dma_semaphore, #tpu.memory_space<semaphore_mem>>)
    %add3A_26 = arith.constant 384 : i32
    %add3A_27 = arith.addi %mul3A_2, %add3A_26 : i32
    %dma_start3A_28 = arith.constant 384 : i32
    %dma_start3A_29 = tpu.memref_slice %arg5[%dma_start3A_28] : memref<512xi32, #tpu.memory_space<vmem>> -> memref<128xi32, #tpu.memory_space<vmem>>
    %dma_start3A_30 = tpu.memref_slice %arg2[%add3A_27] : memref<16384xi32, #tpu.memory_space<hbm>> -> memref<128xi32, #tpu.memory_space<hbm>>
    %dma_start3A_31 = arith.constant 384 : i32
    %dma_start3A_32 = tpu.memref_slice %arg5[%dma_start3A_31] : memref<512xi32, #tpu.memory_space<vmem>> -> memref<128xi32, #tpu.memory_space<vmem>>
    %dma_start3A_33 = tpu.memref_slice %arg2[%add3A_27] : memref<16384xi32, #tpu.memory_space<hbm>> -> memref<128xi32, #tpu.memory_space<hbm>>
    tpu.enqueue_dma source(%dma_start3A_33 : memref<128xi32, #tpu.memory_space<hbm>>) target(%dma_start3A_32 : memref<128xi32, #tpu.memory_space<vmem>>) target_semaphore(%arg11 : memref<!tpu.dma_semaphore, #tpu.memory_space<semaphore_mem>>)
    %lt3A = arith.constant 8 : i32
    %lt3A_34 = arith.cmpi slt, %arg1, %lt3A : i32
    %convert_element_type3A = arith.extui %lt3A_34 : i1 to i32
    %cond3A = arith.constant 0 : i32
    %cond3A_35 = arith.cmpi ne, %convert_element_type3A, %cond3A : i32
    scf.if %cond3A_35 {
      %mul3A_528 = arith.constant 125 : i32
      %mul3A_529 = arith.muli %arg1, %mul3A_528 : i32
      "tpu.region"() ({
        %run_scoped3A = tpu.sem_alloc : memref<!tpu.dma_semaphore, #tpu.memory_space<semaphore_mem>>
        %dma_start3A_530 = arith.constant 0 : i32
        %dma_start3A_531 = tpu.memref_slice %arg7[%mul3A_529, %dma_start3A_530] : memref<1000x64xf32, #tpu.memory_space<vmem_shared>> -> memref<125x64xf32, #tpu.memory_space<vmem_shared>>
        %dma_start3A_532 = arith.constant 0 : i32
        %dma_start3A_533 = tpu.memref_slice %arg3[%mul3A_529, %dma_start3A_532] : memref<1000x64xf32, #tpu.memory_space<hbm>> -> memref<125x64xf32, #tpu.memory_space<hbm>>
        tpu.enqueue_dma source(%dma_start3A_533 : memref<125x64xf32, #tpu.memory_space<hbm>>) target(%dma_start3A_531 : memref<125x64xf32, #tpu.memory_space<vmem_shared>>) target_semaphore(%run_scoped3A : memref<!tpu.dma_semaphore, #tpu.memory_space<semaphore_mem>>)
        %dma_wait3A_534 = arith.constant 0 : i32
        %dma_wait3A_535 = tpu.memref_slice %arg7[%mul3A_529, %dma_wait3A_534] : memref<1000x64xf32, #tpu.memory_space<vmem_shared>> -> memref<125x64xf32, #tpu.memory_space<vmem_shared>>
        %dma_wait3A_536 = arith.constant 0 : i32
        %dma_wait3A_537 = tpu.memref_slice %arg3[%mul3A_529, %dma_wait3A_536] : memref<1000x64xf32, #tpu.memory_space<hbm>> -> memref<125x64xf32, #tpu.memory_space<hbm>>
        tpu.wait_dma2 semaphore(%run_scoped3A : memref<!tpu.dma_semaphore, #tpu.memory_space<semaphore_mem>>) src(%dma_wait3A_537 : memref<125x64xf32, #tpu.memory_space<hbm>>) dst(%dma_wait3A_535 : memref<125x64xf32, #tpu.memory_space<vmem_shared>>)
        tpu.yield
      }) : () -> ()
    } else {
    }
    %barrier3A = arith.constant 0 : index
    tpu.barrier barrier_id(%barrier3A)
    %dma_wait3A = arith.constant 0 : i32
    %dma_wait3A_36 = tpu.memref_slice %arg5[%dma_wait3A] : memref<512xi32, #tpu.memory_space<vmem>> -> memref<128xi32, #tpu.memory_space<vmem>>
    %dma_wait3A_37 = tpu.memref_slice %arg2[%add3A_4] : memref<16384xi32, #tpu.memory_space<hbm>> -> memref<128xi32, #tpu.memory_space<hbm>>
    %dma_wait3A_38 = arith.constant 0 : i32
    %dma_wait3A_39 = tpu.memref_slice %arg5[%dma_wait3A_38] : memref<512xi32, #tpu.memory_space<vmem>> -> memref<128xi32, #tpu.memory_space<vmem>>
    %dma_wait3A_40 = tpu.memref_slice %arg2[%add3A_4] : memref<16384xi32, #tpu.memory_space<hbm>> -> memref<128xi32, #tpu.memory_space<hbm>>
    tpu.wait_dma2 semaphore(%arg8 : memref<!tpu.dma_semaphore, #tpu.memory_space<semaphore_mem>>) src(%dma_wait3A_40 : memref<128xi32, #tpu.memory_space<hbm>>) dst(%dma_wait3A_39 : memref<128xi32, #tpu.memory_space<vmem>>)
    %get3A = arith.constant 0 : index
    %get3A_41 = tpu.vector_load %arg5[%get3A] {strides = array<i32>} : memref<512xi32, #tpu.memory_space<vmem>>, vector<16xi32>,
    %get3A_42 = vector.shape_cast %get3A_41 : vector<16xi32> to vector<16xi32>
    %min3A = arith.constant 999 : i32
    %min3A_43 = vector.broadcast %min3A : i32 to vector<16xi32>
    %min3A_44 = arith.minsi %get3A_42, %min3A_43 : vector<16xi32>
    %swap3A = arith.constant 0 : index
    %swap3A_45 = tpu.vector_load %arg5[%swap3A] {strides = array<i32>} : memref<512xi32, #tpu.memory_space<vmem>>, vector<16xi32>,
    %swap3A_46 = vector.shape_cast %swap3A_45 : vector<16xi32> to vector<16xi32>
    %swap3A_47 = vector.shape_cast %min3A_44 : vector<16xi32> to vector<16xi32>
    tpu.vector_store %arg5[%swap3A], %swap3A_47 {strides = array<i32>} : memref<512xi32, #tpu.memory_space<vmem>>, vector<16xi32>,
    %get3A_48 = arith.constant 16 : index
    %get3A_49 = tpu.vector_load %arg5[%get3A_48] {strides = array<i32>} : memref<512xi32, #tpu.memory_space<vmem>>, vector<16xi32>,
    %get3A_50 = vector.shape_cast %get3A_49 : vector<16xi32> to vector<16xi32>
    %min3A_51 = arith.constant 999 : i32
    %min3A_52 = vector.broadcast %min3A_51 : i32 to vector<16xi32>
    %min3A_53 = arith.minsi %get3A_50, %min3A_52 : vector<16xi32>
    %swap3A_54 = arith.constant 16 : index
    %swap3A_55 = tpu.vector_load %arg5[%swap3A_54] {strides = array<i32>} : memref<512xi32, #tpu.memory_space<vmem>>, vector<16xi32>,
    %swap3A_56 = vector.shape_cast %swap3A_55 : vector<16xi32> to vector<16xi32>
    %swap3A_57 = vector.shape_cast %min3A_53 : vector<16xi32> to vector<16xi32>
    tpu.vector_store %arg5[%swap3A_54], %swap3A_57 {strides = array<i32>} : memref<512xi32, #tpu.memory_space<vmem>>, vector<16xi32>,
    %get3A_58 = arith.constant 32 : index
    %get3A_59 = tpu.vector_load %arg5[%get3A_58] {strides = array<i32>} : memref<512xi32, #tpu.memory_space<vmem>>, vector<16xi32>,
    %get3A_60 = vector.shape_cast %get3A_59 : vector<16xi32> to vector<16xi32>
    %min3A_61 = arith.constant 999 : i32
    %min3A_62 = vector.broadcast %min3A_61 : i32 to vector<16xi32>
    %min3A_63 = arith.minsi %get3A_60, %min3A_62 : vector<16xi32>
    %swap3A_64 = arith.constant 32 : index
    %swap3A_65 = tpu.vector_load %arg5[%swap3A_64] {strides = array<i32>} : memref<512xi32, #tpu.memory_space<vmem>>, vector<16xi32>,
    %swap3A_66 = vector.shape_cast %swap3A_65 : vector<16xi32> to vector<16xi32>
    %swap3A_67 = vector.shape_cast %min3A_63 : vector<16xi32> to vector<16xi32>
    tpu.vector_store %arg5[%swap3A_64], %swap3A_67 {strides = array<i32>} : memref<512xi32, #tpu.memory_space<vmem>>, vector<16xi32>,
    %get3A_68 = arith.constant 48 : index
    %get3A_69 = tpu.vector_load %arg5[%get3A_68] {strides = array<i32>} : memref<512xi32, #tpu.memory_space<vmem>>, vector<16xi32>,
    %get3A_70 = vector.shape_cast %get3A_69 : vector<16xi32> to vector<16xi32>
    %min3A_71 = arith.constant 999 : i32
    %min3A_72 = vector.broadcast %min3A_71 : i32 to vector<16xi32>
    %min3A_73 = arith.minsi %get3A_70, %min3A_72 : vector<16xi32>
    %swap3A_74 = arith.constant 48 : index
    %swap3A_75 = tpu.vector_load %arg5[%swap3A_74] {strides = array<i32>} : memref<512xi32, #tpu.memory_space<vmem>>, vector<16xi32>,
    %swap3A_76 = vector.shape_cast %swap3A_75 : vector<16xi32> to vector<16xi32>
    %swap3A_77 = vector.shape_cast %min3A_73 : vector<16xi32> to vector<16xi32>
    tpu.vector_store %arg5[%swap3A_74], %swap3A_77 {strides = array<i32>} : memref<512xi32, #tpu.memory_space<vmem>>, vector<16xi32>,
    %get3A_78 = arith.constant 64 : index
    %get3A_79 = tpu.vector_load %arg5[%get3A_78] {strides = array<i32>} : memref<512xi32, #tpu.memory_space<vmem>>, vector<16xi32>,
    %get3A_80 = vector.shape_cast %get3A_79 : vector<16xi32> to vector<16xi32>
    %min3A_81 = arith.constant 999 : i32
    %min3A_82 = vector.broadcast %min3A_81 : i32 to vector<16xi32>
    %min3A_83 = arith.minsi %get3A_80, %min3A_82 : vector<16xi32>
    %swap3A_84 = arith.constant 64 : index
    %swap3A_85 = tpu.vector_load %arg5[%swap3A_84] {strides = array<i32>} : memref<512xi32, #tpu.memory_space<vmem>>, vector<16xi32>,
    %swap3A_86 = vector.shape_cast %swap3A_85 : vector<16xi32> to vector<16xi32>
    %swap3A_87 = vector.shape_cast %min3A_83 : vector<16xi32> to vector<16xi32>
    tpu.vector_store %arg5[%swap3A_84], %swap3A_87 {strides = array<i32>} : memref<512xi32, #tpu.memory_space<vmem>>, vector<16xi32>,
    %get3A_88 = arith.constant 80 : index
    %get3A_89 = tpu.vector_load %arg5[%get3A_88] {strides = array<i32>} : memref<512xi32, #tpu.memory_space<vmem>>, vector<16xi32>,
    %get3A_90 = vector.shape_cast %get3A_89 : vector<16xi32> to vector<16xi32>
    %min3A_91 = arith.constant 999 : i32
    %min3A_92 = vector.broadcast %min3A_91 : i32 to vector<16xi32>
    %min3A_93 = arith.minsi %get3A_90, %min3A_92 : vector<16xi32>
    %swap3A_94 = arith.constant 80 : index
    %swap3A_95 = tpu.vector_load %arg5[%swap3A_94] {strides = array<i32>} : memref<512xi32, #tpu.memory_space<vmem>>, vector<16xi32>,
    %swap3A_96 = vector.shape_cast %swap3A_95 : vector<16xi32> to vector<16xi32>
    %swap3A_97 = vector.shape_cast %min3A_93 : vector<16xi32> to vector<16xi32>
    tpu.vector_store %arg5[%swap3A_94], %swap3A_97 {strides = array<i32>} : memref<512xi32, #tpu.memory_space<vmem>>, vector<16xi32>,
    %get3A_98 = arith.constant 96 : index
    %get3A_99 = tpu.vector_load %arg5[%get3A_98] {strides = array<i32>} : memref<512xi32, #tpu.memory_space<vmem>>, vector<16xi32>,
    %get3A_100 = vector.shape_cast %get3A_99 : vector<16xi32> to vector<16xi32>
    %min3A_101 = arith.constant 999 : i32
    %min3A_102 = vector.broadcast %min3A_101 : i32 to vector<16xi32>
    %min3A_103 = arith.minsi %get3A_100, %min3A_102 : vector<16xi32>
    %swap3A_104 = arith.constant 96 : index
    %swap3A_105 = tpu.vector_load %arg5[%swap3A_104] {strides = array<i32>} : memref<512xi32, #tpu.memory_space<vmem>>, vector<16xi32>,
    %swap3A_106 = vector.shape_cast %swap3A_105 : vector<16xi32> to vector<16xi32>
    %swap3A_107 = vector.shape_cast %min3A_103 : vector<16xi32> to vector<16xi32>
    tpu.vector_store %arg5[%swap3A_104], %swap3A_107 {strides = array<i32>} : memref<512xi32, #tpu.memory_space<vmem>>, vector<16xi32>,
    %get3A_108 = arith.constant 112 : index
    %get3A_109 = tpu.vector_load %arg5[%get3A_108] {strides = array<i32>} : memref<512xi32, #tpu.memory_space<vmem>>, vector<16xi32>,
    %get3A_110 = vector.shape_cast %get3A_109 : vector<16xi32> to vector<16xi32>
    %min3A_111 = arith.constant 999 : i32
    %min3A_112 = vector.broadcast %min3A_111 : i32 to vector<16xi32>
    %min3A_113 = arith.minsi %get3A_110, %min3A_112 : vector<16xi32>
    %swap3A_114 = arith.constant 112 : index
    %swap3A_115 = tpu.vector_load %arg5[%swap3A_114] {strides = array<i32>} : memref<512xi32, #tpu.memory_space<vmem>>, vector<16xi32>,
    %swap3A_116 = vector.shape_cast %swap3A_115 : vector<16xi32> to vector<16xi32>
    %swap3A_117 = vector.shape_cast %min3A_113 : vector<16xi32> to vector<16xi32>
    tpu.vector_store %arg5[%swap3A_114], %swap3A_117 {strides = array<i32>} : memref<512xi32, #tpu.memory_space<vmem>>, vector<16xi32>,
    %dma_start3A_118 = arith.constant 0 : i32
    %dma_start3A_119 = arith.constant 0 : i32
    %dma_start3A_120 = tpu.memref_slice %arg6[%dma_start3A_118, %dma_start3A_119] : memref<512x64xf32, #tpu.memory_space<vmem>> -> memref<128x64xf32, #tpu.memory_space<vmem>>
    %dma_start3A_121 = arith.constant 0 : i32
    %dma_start3A_122 = tpu.memref_slice %arg5[%dma_start3A_121] : memref<512xi32, #tpu.memory_space<vmem>> -> memref<128xi32, #tpu.memory_space<vmem>>
    %dma_start3A_123 = arith.constant 0 : i32
    %dma_start3A_124 = arith.constant 0 : i32
    %dma_start3A_125 = tpu.memref_slice %arg7[%dma_start3A_123, %dma_start3A_124] : memref<1000x64xf32, #tpu.memory_space<vmem_shared>> -> memref<1000x64xf32, #tpu.memory_space<vmem_shared>>
    tpu.enqueue_indirect_dma source(%dma_start3A_125 : memref<1000x64xf32, #tpu.memory_space<vmem_shared>>) target(%dma_start3A_120 : memref<128x64xf32, #tpu.memory_space<vmem>>) offsets(%dma_start3A_122 : memref<128xi32, #tpu.memory_space<vmem>>) semaphore(%arg12 : memref<!tpu.dma_semaphore, #tpu.memory_space<semaphore_mem>>)
    %dma_wait3A_126 = arith.constant 128 : i32
    %dma_wait3A_127 = tpu.memref_slice %arg5[%dma_wait3A_126] : memref<512xi32, #tpu.memory_space<vmem>> -> memref<128xi32, #tpu.memory_space<vmem>>
    %dma_wait3A_128 = tpu.memref_slice %arg2[%add3A_11] : memref<16384xi32, #tpu.memory_space<hbm>> -> memref<128xi32, #tpu.memory_space<hbm>>
    %dma_wait3A_129 = arith.constant 128 : i32
    %dma_wait3A_130 = tpu.memref_slice %arg5[%dma_wait3A_129] : memref<512xi32, #tpu.memory_space<vmem>> -> memref<128xi32, #tpu.memory_space<vmem>>
    %dma_wait3A_131 = tpu.memref_slice %arg2[%add3A_11] : memref<16384xi32, #tpu.memory_space<hbm>> -> memref<128xi32, #tpu.memory_space<hbm>>
    tpu.wait_dma2 semaphore(%arg9 : memref<!tpu.dma_semaphore, #tpu.memory_space<semaphore_mem>>) src(%dma_wait3A_131 : memref<128xi32, #tpu.memory_space<hbm>>) dst(%dma_wait3A_130 : memref<128xi32, #tpu.memory_space<vmem>>)
    %get3A_132 = arith.constant 128 : index
    %get3A_133 = tpu.vector_load %arg5[%get3A_132] {strides = array<i32>} : memref<512xi32, #tpu.memory_space<vmem>>, vector<16xi32>,
    %get3A_134 = vector.shape_cast %get3A_133 : vector<16xi32> to vector<16xi32>
    %min3A_135 = arith.constant 999 : i32
    %min3A_136 = vector.broadcast %min3A_135 : i32 to vector<16xi32>
    %min3A_137 = arith.minsi %get3A_134, %min3A_136 : vector<16xi32>
    %swap3A_138 = arith.constant 128 : index
    %swap3A_139 = tpu.vector_load %arg5[%swap3A_138] {strides = array<i32>} : memref<512xi32, #tpu.memory_space<vmem>>, vector<16xi32>,
    %swap3A_140 = vector.shape_cast %swap3A_139 : vector<16xi32> to vector<16xi32>
    %swap3A_141 = vector.shape_cast %min3A_137 : vector<16xi32> to vector<16xi32>
    tpu.vector_store %arg5[%swap3A_138], %swap3A_141 {strides = array<i32>} : memref<512xi32, #tpu.memory_space<vmem>>, vector<16xi32>,
    %get3A_142 = arith.constant 144 : index
    %get3A_143 = tpu.vector_load %arg5[%get3A_142] {strides = array<i32>} : memref<512xi32, #tpu.memory_space<vmem>>, vector<16xi32>,
    %get3A_144 = vector.shape_cast %get3A_143 : vector<16xi32> to vector<16xi32>
    %min3A_145 = arith.constant 999 : i32
    %min3A_146 = vector.broadcast %min3A_145 : i32 to vector<16xi32>
    %min3A_147 = arith.minsi %get3A_144, %min3A_146 : vector<16xi32>
    %swap3A_148 = arith.constant 144 : index
    %swap3A_149 = tpu.vector_load %arg5[%swap3A_148] {strides = array<i32>} : memref<512xi32, #tpu.memory_space<vmem>>, vector<16xi32>,
    %swap3A_150 = vector.shape_cast %swap3A_149 : vector<16xi32> to vector<16xi32>
    %swap3A_151 = vector.shape_cast %min3A_147 : vector<16xi32> to vector<16xi32>
    tpu.vector_store %arg5[%swap3A_148], %swap3A_151 {strides = array<i32>} : memref<512xi32, #tpu.memory_space<vmem>>, vector<16xi32>,
    %get3A_152 = arith.constant 160 : index
    %get3A_153 = tpu.vector_load %arg5[%get3A_152] {strides = array<i32>} : memref<512xi32, #tpu.memory_space<vmem>>, vector<16xi32>,
    %get3A_154 = vector.shape_cast %get3A_153 : vector<16xi32> to vector<16xi32>
    %min3A_155 = arith.constant 999 : i32
    %min3A_156 = vector.broadcast %min3A_155 : i32 to vector<16xi32>
    %min3A_157 = arith.minsi %get3A_154, %min3A_156 : vector<16xi32>
    %swap3A_158 = arith.constant 160 : index
    %swap3A_159 = tpu.vector_load %arg5[%swap3A_158] {strides = array<i32>} : memref<512xi32, #tpu.memory_space<vmem>>, vector<16xi32>,
    %swap3A_160 = vector.shape_cast %swap3A_159 : vector<16xi32> to vector<16xi32>
    %swap3A_161 = vector.shape_cast %min3A_157 : vector<16xi32> to vector<16xi32>
    tpu.vector_store %arg5[%swap3A_158], %swap3A_161 {strides = array<i32>} : memref<512xi32, #tpu.memory_space<vmem>>, vector<16xi32>,
    %get3A_162 = arith.constant 176 : index
    %get3A_163 = tpu.vector_load %arg5[%get3A_162] {strides = array<i32>} : memref<512xi32, #tpu.memory_space<vmem>>, vector<16xi32>,
    %get3A_164 = vector.shape_cast %get3A_163 : vector<16xi32> to vector<16xi32>
    %min3A_165 = arith.constant 999 : i32
    %min3A_166 = vector.broadcast %min3A_165 : i32 to vector<16xi32>
    %min3A_167 = arith.minsi %get3A_164, %min3A_166 : vector<16xi32>
    %swap3A_168 = arith.constant 176 : index
    %swap3A_169 = tpu.vector_load %arg5[%swap3A_168] {strides = array<i32>} : memref<512xi32, #tpu.memory_space<vmem>>, vector<16xi32>,
    %swap3A_170 = vector.shape_cast %swap3A_169 : vector<16xi32> to vector<16xi32>
    %swap3A_171 = vector.shape_cast %min3A_167 : vector<16xi32> to vector<16xi32>
    tpu.vector_store %arg5[%swap3A_168], %swap3A_171 {strides = array<i32>} : memref<512xi32, #tpu.memory_space<vmem>>, vector<16xi32>,
    %get3A_172 = arith.constant 192 : index
    %get3A_173 = tpu.vector_load %arg5[%get3A_172] {strides = array<i32>} : memref<512xi32, #tpu.memory_space<vmem>>, vector<16xi32>,
    %get3A_174 = vector.shape_cast %get3A_173 : vector<16xi32> to vector<16xi32>
    %min3A_175 = arith.constant 999 : i32
    %min3A_176 = vector.broadcast %min3A_175 : i32 to vector<16xi32>
    %min3A_177 = arith.minsi %get3A_174, %min3A_176 : vector<16xi32>
    %swap3A_178 = arith.constant 192 : index
    %swap3A_179 = tpu.vector_load %arg5[%swap3A_178] {strides = array<i32>} : memref<512xi32, #tpu.memory_space<vmem>>, vector<16xi32>,
    %swap3A_180 = vector.shape_cast %swap3A_179 : vector<16xi32> to vector<16xi32>
    %swap3A_181 = vector.shape_cast %min3A_177 : vector<16xi32> to vector<16xi32>
    tpu.vector_store %arg5[%swap3A_178], %swap3A_181 {strides = array<i32>} : memref<512xi32, #tpu.memory_space<vmem>>, vector<16xi32>,
    %get3A_182 = arith.constant 208 : index
    %get3A_183 = tpu.vector_load %arg5[%get3A_182] {strides = array<i32>} : memref<512xi32, #tpu.memory_space<vmem>>, vector<16xi32>,
    %get3A_184 = vector.shape_cast %get3A_183 : vector<16xi32> to vector<16xi32>
    %min3A_185 = arith.constant 999 : i32
    %min3A_186 = vector.broadcast %min3A_185 : i32 to vector<16xi32>
    %min3A_187 = arith.minsi %get3A_184, %min3A_186 : vector<16xi32>
    %swap3A_188 = arith.constant 208 : index
    %swap3A_189 = tpu.vector_load %arg5[%swap3A_188] {strides = array<i32>} : memref<512xi32, #tpu.memory_space<vmem>>, vector<16xi32>,
    %swap3A_190 = vector.shape_cast %swap3A_189 : vector<16xi32> to vector<16xi32>
    %swap3A_191 = vector.shape_cast %min3A_187 : vector<16xi32> to vector<16xi32>
    tpu.vector_store %arg5[%swap3A_188], %swap3A_191 {strides = array<i32>} : memref<512xi32, #tpu.memory_space<vmem>>, vector<16xi32>,
    %get3A_192 = arith.constant 224 : index
    %get3A_193 = tpu.vector_load %arg5[%get3A_192] {strides = array<i32>} : memref<512xi32, #tpu.memory_space<vmem>>, vector<16xi32>,
    %get3A_194 = vector.shape_cast %get3A_193 : vector<16xi32> to vector<16xi32>
    %min3A_195 = arith.constant 999 : i32
    %min3A_196 = vector.broadcast %min3A_195 : i32 to vector<16xi32>
    %min3A_197 = arith.minsi %get3A_194, %min3A_196 : vector<16xi32>
    %swap3A_198 = arith.constant 224 : index
    %swap3A_199 = tpu.vector_load %arg5[%swap3A_198] {strides = array<i32>} : memref<512xi32, #tpu.memory_space<vmem>>, vector<16xi32>,
    %swap3A_200 = vector.shape_cast %swap3A_199 : vector<16xi32> to vector<16xi32>
    %swap3A_201 = vector.shape_cast %min3A_197 : vector<16xi32> to vector<16xi32>
    tpu.vector_store %arg5[%swap3A_198], %swap3A_201 {strides = array<i32>} : memref<512xi32, #tpu.memory_space<vmem>>, vector<16xi32>,
    %get3A_202 = arith.constant 240 : index
    %get3A_203 = tpu.vector_load %arg5[%get3A_202] {strides = array<i32>} : memref<512xi32, #tpu.memory_space<vmem>>, vector<16xi32>,
    %get3A_204 = vector.shape_cast %get3A_203 : vector<16xi32> to vector<16xi32>
    %min3A_205 = arith.constant 999 : i32
    %min3A_206 = vector.broadcast %min3A_205 : i32 to vector<16xi32>
    %min3A_207 = arith.minsi %get3A_204, %min3A_206 : vector<16xi32>
    %swap3A_208 = arith.constant 240 : index
    %swap3A_209 = tpu.vector_load %arg5[%swap3A_208] {strides = array<i32>} : memref<512xi32, #tpu.memory_space<vmem>>, vector<16xi32>,
    %swap3A_210 = vector.shape_cast %swap3A_209 : vector<16xi32> to vector<16xi32>
    %swap3A_211 = vector.shape_cast %min3A_207 : vector<16xi32> to vector<16xi32>
    tpu.vector_store %arg5[%swap3A_208], %swap3A_211 {strides = array<i32>} : memref<512xi32, #tpu.memory_space<vmem>>, vector<16xi32>,
    %dma_start3A_212 = arith.constant 128 : i32
    %dma_start3A_213 = arith.constant 0 : i32
    %dma_start3A_214 = tpu.memref_slice %arg6[%dma_start3A_212, %dma_start3A_213] : memref<512x64xf32, #tpu.memory_space<vmem>> -> memref<128x64xf32, #tpu.memory_space<vmem>>
    %dma_start3A_215 = arith.constant 128 : i32
    %dma_start3A_216 = tpu.memref_slice %arg5[%dma_start3A_215] : memref<512xi32, #tpu.memory_space<vmem>> -> memref<128xi32, #tpu.memory_space<vmem>>
    %dma_start3A_217 = arith.constant 0 : i32
    %dma_start3A_218 = arith.constant 0 : i32
    %dma_start3A_219 = tpu.memref_slice %arg7[%dma_start3A_217, %dma_start3A_218] : memref<1000x64xf32, #tpu.memory_space<vmem_shared>> -> memref<1000x64xf32, #tpu.memory_space<vmem_shared>>
    tpu.enqueue_indirect_dma source(%dma_start3A_219 : memref<1000x64xf32, #tpu.memory_space<vmem_shared>>) target(%dma_start3A_214 : memref<128x64xf32, #tpu.memory_space<vmem>>) offsets(%dma_start3A_216 : memref<128xi32, #tpu.memory_space<vmem>>) semaphore(%arg13 : memref<!tpu.dma_semaphore, #tpu.memory_space<semaphore_mem>>)
    %dma_wait3A_220 = arith.constant 256 : i32
    %dma_wait3A_221 = tpu.memref_slice %arg5[%dma_wait3A_220] : memref<512xi32, #tpu.memory_space<vmem>> -> memref<128xi32, #tpu.memory_space<vmem>>
    %dma_wait3A_222 = tpu.memref_slice %arg2[%add3A_19] : memref<16384xi32, #tpu.memory_space<hbm>> -> memref<128xi32, #tpu.memory_space<hbm>>
    %dma_wait3A_223 = arith.constant 256 : i32
    %dma_wait3A_224 = tpu.memref_slice %arg5[%dma_wait3A_223] : memref<512xi32, #tpu.memory_space<vmem>> -> memref<128xi32, #tpu.memory_space<vmem>>
    %dma_wait3A_225 = tpu.memref_slice %arg2[%add3A_19] : memref<16384xi32, #tpu.memory_space<hbm>> -> memref<128xi32, #tpu.memory_space<hbm>>
    tpu.wait_dma2 semaphore(%arg10 : memref<!tpu.dma_semaphore, #tpu.memory_space<semaphore_mem>>) src(%dma_wait3A_225 : memref<128xi32, #tpu.memory_space<hbm>>) dst(%dma_wait3A_224 : memref<128xi32, #tpu.memory_space<vmem>>)
    %get3A_226 = arith.constant 256 : index
    %get3A_227 = tpu.vector_load %arg5[%get3A_226] {strides = array<i32>} : memref<512xi32, #tpu.memory_space<vmem>>, vector<16xi32>,
    %get3A_228 = vector.shape_cast %get3A_227 : vector<16xi32> to vector<16xi32>
    %min3A_229 = arith.constant 999 : i32
    %min3A_230 = vector.broadcast %min3A_229 : i32 to vector<16xi32>
    %min3A_231 = arith.minsi %get3A_228, %min3A_230 : vector<16xi32>
    %swap3A_232 = arith.constant 256 : index
    %swap3A_233 = tpu.vector_load %arg5[%swap3A_232] {strides = array<i32>} : memref<512xi32, #tpu.memory_space<vmem>>, vector<16xi32>,
    %swap3A_234 = vector.shape_cast %swap3A_233 : vector<16xi32> to vector<16xi32>
    %swap3A_235 = vector.shape_cast %min3A_231 : vector<16xi32> to vector<16xi32>
    tpu.vector_store %arg5[%swap3A_232], %swap3A_235 {strides = array<i32>} : memref<512xi32, #tpu.memory_space<vmem>>, vector<16xi32>,
    %get3A_236 = arith.constant 272 : index
    %get3A_237 = tpu.vector_load %arg5[%get3A_236] {strides = array<i32>} : memref<512xi32, #tpu.memory_space<vmem>>, vector<16xi32>,
    %get3A_238 = vector.shape_cast %get3A_237 : vector<16xi32> to vector<16xi32>
    %min3A_239 = arith.constant 999 : i32
    %min3A_240 = vector.broadcast %min3A_239 : i32 to vector<16xi32>
    %min3A_241 = arith.minsi %get3A_238, %min3A_240 : vector<16xi32>
    %swap3A_242 = arith.constant 272 : index
    %swap3A_243 = tpu.vector_load %arg5[%swap3A_242] {strides = array<i32>} : memref<512xi32, #tpu.memory_space<vmem>>, vector<16xi32>,
    %swap3A_244 = vector.shape_cast %swap3A_243 : vector<16xi32> to vector<16xi32>
    %swap3A_245 = vector.shape_cast %min3A_241 : vector<16xi32> to vector<16xi32>
    tpu.vector_store %arg5[%swap3A_242], %swap3A_245 {strides = array<i32>} : memref<512xi32, #tpu.memory_space<vmem>>, vector<16xi32>,
    %get3A_246 = arith.constant 288 : index
    %get3A_247 = tpu.vector_load %arg5[%get3A_246] {strides = array<i32>} : memref<512xi32, #tpu.memory_space<vmem>>, vector<16xi32>,
    %get3A_248 = vector.shape_cast %get3A_247 : vector<16xi32> to vector<16xi32>
    %min3A_249 = arith.constant 999 : i32
    %min3A_250 = vector.broadcast %min3A_249 : i32 to vector<16xi32>
    %min3A_251 = arith.minsi %get3A_248, %min3A_250 : vector<16xi32>
    %swap3A_252 = arith.constant 288 : index
    %swap3A_253 = tpu.vector_load %arg5[%swap3A_252] {strides = array<i32>} : memref<512xi32, #tpu.memory_space<vmem>>, vector<16xi32>,
    %swap3A_254 = vector.shape_cast %swap3A_253 : vector<16xi32> to vector<16xi32>
    %swap3A_255 = vector.shape_cast %min3A_251 : vector<16xi32> to vector<16xi32>
    tpu.vector_store %arg5[%swap3A_252], %swap3A_255 {strides = array<i32>} : memref<512xi32, #tpu.memory_space<vmem>>, vector<16xi32>,
    %get3A_256 = arith.constant 304 : index
    %get3A_257 = tpu.vector_load %arg5[%get3A_256] {strides = array<i32>} : memref<512xi32, #tpu.memory_space<vmem>>, vector<16xi32>,
    %get3A_258 = vector.shape_cast %get3A_257 : vector<16xi32> to vector<16xi32>
    %min3A_259 = arith.constant 999 : i32
    %min3A_260 = vector.broadcast %min3A_259 : i32 to vector<16xi32>
    %min3A_261 = arith.minsi %get3A_258, %min3A_260 : vector<16xi32>
    %swap3A_262 = arith.constant 304 : index
    %swap3A_263 = tpu.vector_load %arg5[%swap3A_262] {strides = array<i32>} : memref<512xi32, #tpu.memory_space<vmem>>, vector<16xi32>,
    %swap3A_264 = vector.shape_cast %swap3A_263 : vector<16xi32> to vector<16xi32>
    %swap3A_265 = vector.shape_cast %min3A_261 : vector<16xi32> to vector<16xi32>
    tpu.vector_store %arg5[%swap3A_262], %swap3A_265 {strides = array<i32>} : memref<512xi32, #tpu.memory_space<vmem>>, vector<16xi32>,
    %get3A_266 = arith.constant 320 : index
    %get3A_267 = tpu.vector_load %arg5[%get3A_266] {strides = array<i32>} : memref<512xi32, #tpu.memory_space<vmem>>, vector<16xi32>,
    %get3A_268 = vector.shape_cast %get3A_267 : vector<16xi32> to vector<16xi32>
    %min3A_269 = arith.constant 999 : i32
    %min3A_270 = vector.broadcast %min3A_269 : i32 to vector<16xi32>
    %min3A_271 = arith.minsi %get3A_268, %min3A_270 : vector<16xi32>
    %swap3A_272 = arith.constant 320 : index
    %swap3A_273 = tpu.vector_load %arg5[%swap3A_272] {strides = array<i32>} : memref<512xi32, #tpu.memory_space<vmem>>, vector<16xi32>,
    %swap3A_274 = vector.shape_cast %swap3A_273 : vector<16xi32> to vector<16xi32>
    %swap3A_275 = vector.shape_cast %min3A_271 : vector<16xi32> to vector<16xi32>
    tpu.vector_store %arg5[%swap3A_272], %swap3A_275 {strides = array<i32>} : memref<512xi32, #tpu.memory_space<vmem>>, vector<16xi32>,
    %get3A_276 = arith.constant 336 : index
    %get3A_277 = tpu.vector_load %arg5[%get3A_276] {strides = array<i32>} : memref<512xi32, #tpu.memory_space<vmem>>, vector<16xi32>,
    %get3A_278 = vector.shape_cast %get3A_277 : vector<16xi32> to vector<16xi32>
    %min3A_279 = arith.constant 999 : i32
    %min3A_280 = vector.broadcast %min3A_279 : i32 to vector<16xi32>
    %min3A_281 = arith.minsi %get3A_278, %min3A_280 : vector<16xi32>
    %swap3A_282 = arith.constant 336 : index
    %swap3A_283 = tpu.vector_load %arg5[%swap3A_282] {strides = array<i32>} : memref<512xi32, #tpu.memory_space<vmem>>, vector<16xi32>,
    %swap3A_284 = vector.shape_cast %swap3A_283 : vector<16xi32> to vector<16xi32>
    %swap3A_285 = vector.shape_cast %min3A_281 : vector<16xi32> to vector<16xi32>
    tpu.vector_store %arg5[%swap3A_282], %swap3A_285 {strides = array<i32>} : memref<512xi32, #tpu.memory_space<vmem>>, vector<16xi32>,
    %get3A_286 = arith.constant 352 : index
    %get3A_287 = tpu.vector_load %arg5[%get3A_286] {strides = array<i32>} : memref<512xi32, #tpu.memory_space<vmem>>, vector<16xi32>,
    %get3A_288 = vector.shape_cast %get3A_287 : vector<16xi32> to vector<16xi32>
    %min3A_289 = arith.constant 999 : i32
    %min3A_290 = vector.broadcast %min3A_289 : i32 to vector<16xi32>
    %min3A_291 = arith.minsi %get3A_288, %min3A_290 : vector<16xi32>
    %swap3A_292 = arith.constant 352 : index
    %swap3A_293 = tpu.vector_load %arg5[%swap3A_292] {strides = array<i32>} : memref<512xi32, #tpu.memory_space<vmem>>, vector<16xi32>,
    %swap3A_294 = vector.shape_cast %swap3A_293 : vector<16xi32> to vector<16xi32>
    %swap3A_295 = vector.shape_cast %min3A_291 : vector<16xi32> to vector<16xi32>
    tpu.vector_store %arg5[%swap3A_292], %swap3A_295 {strides = array<i32>} : memref<512xi32, #tpu.memory_space<vmem>>, vector<16xi32>,
    %get3A_296 = arith.constant 368 : index
    %get3A_297 = tpu.vector_load %arg5[%get3A_296] {strides = array<i32>} : memref<512xi32, #tpu.memory_space<vmem>>, vector<16xi32>,
    %get3A_298 = vector.shape_cast %get3A_297 : vector<16xi32> to vector<16xi32>
    %min3A_299 = arith.constant 999 : i32
    %min3A_300 = vector.broadcast %min3A_299 : i32 to vector<16xi32>
    %min3A_301 = arith.minsi %get3A_298, %min3A_300 : vector<16xi32>
    %swap3A_302 = arith.constant 368 : index
    %swap3A_303 = tpu.vector_load %arg5[%swap3A_302] {strides = array<i32>} : memref<512xi32, #tpu.memory_space<vmem>>, vector<16xi32>,
    %swap3A_304 = vector.shape_cast %swap3A_303 : vector<16xi32> to vector<16xi32>
    %swap3A_305 = vector.shape_cast %min3A_301 : vector<16xi32> to vector<16xi32>
    tpu.vector_store %arg5[%swap3A_302], %swap3A_305 {strides = array<i32>} : memref<512xi32, #tpu.memory_space<vmem>>, vector<16xi32>,
    %dma_start3A_306 = arith.constant 256 : i32
    %dma_start3A_307 = arith.constant 0 : i32
    %dma_start3A_308 = tpu.memref_slice %arg6[%dma_start3A_306, %dma_start3A_307] : memref<512x64xf32, #tpu.memory_space<vmem>> -> memref<128x64xf32, #tpu.memory_space<vmem>>
    %dma_start3A_309 = arith.constant 256 : i32
    %dma_start3A_310 = tpu.memref_slice %arg5[%dma_start3A_309] : memref<512xi32, #tpu.memory_space<vmem>> -> memref<128xi32, #tpu.memory_space<vmem>>
    %dma_start3A_311 = arith.constant 0 : i32
    %dma_start3A_312 = arith.constant 0 : i32
    %dma_start3A_313 = tpu.memref_slice %arg7[%dma_start3A_311, %dma_start3A_312] : memref<1000x64xf32, #tpu.memory_space<vmem_shared>> -> memref<1000x64xf32, #tpu.memory_space<vmem_shared>>
    tpu.enqueue_indirect_dma source(%dma_start3A_313 : memref<1000x64xf32, #tpu.memory_space<vmem_shared>>) target(%dma_start3A_308 : memref<128x64xf32, #tpu.memory_space<vmem>>) offsets(%dma_start3A_310 : memref<128xi32, #tpu.memory_space<vmem>>) semaphore(%arg14 : memref<!tpu.dma_semaphore, #tpu.memory_space<semaphore_mem>>)
    %dma_wait3A_314 = arith.constant 384 : i32
    %dma_wait3A_315 = tpu.memref_slice %arg5[%dma_wait3A_314] : memref<512xi32, #tpu.memory_space<vmem>> -> memref<128xi32, #tpu.memory_space<vmem>>
    %dma_wait3A_316 = tpu.memref_slice %arg2[%add3A_27] : memref<16384xi32, #tpu.memory_space<hbm>> -> memref<128xi32, #tpu.memory_space<hbm>>
    %dma_wait3A_317 = arith.constant 384 : i32
    %dma_wait3A_318 = tpu.memref_slice %arg5[%dma_wait3A_317] : memref<512xi32, #tpu.memory_space<vmem>> -> memref<128xi32, #tpu.memory_space<vmem>>
    %dma_wait3A_319 = tpu.memref_slice %arg2[%add3A_27] : memref<16384xi32, #tpu.memory_space<hbm>> -> memref<128xi32, #tpu.memory_space<hbm>>
    tpu.wait_dma2 semaphore(%arg11 : memref<!tpu.dma_semaphore, #tpu.memory_space<semaphore_mem>>) src(%dma_wait3A_319 : memref<128xi32, #tpu.memory_space<hbm>>) dst(%dma_wait3A_318 : memref<128xi32, #tpu.memory_space<vmem>>)
    %get3A_320 = arith.constant 384 : index
    %get3A_321 = tpu.vector_load %arg5[%get3A_320] {strides = array<i32>} : memref<512xi32, #tpu.memory_space<vmem>>, vector<16xi32>,
    %get3A_322 = vector.shape_cast %get3A_321 : vector<16xi32> to vector<16xi32>
    %min3A_323 = arith.constant 999 : i32
    %min3A_324 = vector.broadcast %min3A_323 : i32 to vector<16xi32>
    %min3A_325 = arith.minsi %get3A_322, %min3A_324 : vector<16xi32>
    %swap3A_326 = arith.constant 384 : index
    %swap3A_327 = tpu.vector_load %arg5[%swap3A_326] {strides = array<i32>} : memref<512xi32, #tpu.memory_space<vmem>>, vector<16xi32>,
    %swap3A_328 = vector.shape_cast %swap3A_327 : vector<16xi32> to vector<16xi32>
    %swap3A_329 = vector.shape_cast %min3A_325 : vector<16xi32> to vector<16xi32>
    tpu.vector_store %arg5[%swap3A_326], %swap3A_329 {strides = array<i32>} : memref<512xi32, #tpu.memory_space<vmem>>, vector<16xi32>,
    %get3A_330 = arith.constant 400 : index
    %get3A_331 = tpu.vector_load %arg5[%get3A_330] {strides = array<i32>} : memref<512xi32, #tpu.memory_space<vmem>>, vector<16xi32>,
    %get3A_332 = vector.shape_cast %get3A_331 : vector<16xi32> to vector<16xi32>
    %min3A_333 = arith.constant 999 : i32
    %min3A_334 = vector.broadcast %min3A_333 : i32 to vector<16xi32>
    %min3A_335 = arith.minsi %get3A_332, %min3A_334 : vector<16xi32>
    %swap3A_336 = arith.constant 400 : index
    %swap3A_337 = tpu.vector_load %arg5[%swap3A_336] {strides = array<i32>} : memref<512xi32, #tpu.memory_space<vmem>>, vector<16xi32>,
    %swap3A_338 = vector.shape_cast %swap3A_337 : vector<16xi32> to vector<16xi32>
    %swap3A_339 = vector.shape_cast %min3A_335 : vector<16xi32> to vector<16xi32>
    tpu.vector_store %arg5[%swap3A_336], %swap3A_339 {strides = array<i32>} : memref<512xi32, #tpu.memory_space<vmem>>, vector<16xi32>,
    %get3A_340 = arith.constant 416 : index
    %get3A_341 = tpu.vector_load %arg5[%get3A_340] {strides = array<i32>} : memref<512xi32, #tpu.memory_space<vmem>>, vector<16xi32>,
    %get3A_342 = vector.shape_cast %get3A_341 : vector<16xi32> to vector<16xi32>
    %min3A_343 = arith.constant 999 : i32
    %min3A_344 = vector.broadcast %min3A_343 : i32 to vector<16xi32>
    %min3A_345 = arith.minsi %get3A_342, %min3A_344 : vector<16xi32>
    %swap3A_346 = arith.constant 416 : index
    %swap3A_347 = tpu.vector_load %arg5[%swap3A_346] {strides = array<i32>} : memref<512xi32, #tpu.memory_space<vmem>>, vector<16xi32>,
    %swap3A_348 = vector.shape_cast %swap3A_347 : vector<16xi32> to vector<16xi32>
    %swap3A_349 = vector.shape_cast %min3A_345 : vector<16xi32> to vector<16xi32>
    tpu.vector_store %arg5[%swap3A_346], %swap3A_349 {strides = array<i32>} : memref<512xi32, #tpu.memory_space<vmem>>, vector<16xi32>,
    %get3A_350 = arith.constant 432 : index
    %get3A_351 = tpu.vector_load %arg5[%get3A_350] {strides = array<i32>} : memref<512xi32, #tpu.memory_space<vmem>>, vector<16xi32>,
    %get3A_352 = vector.shape_cast %get3A_351 : vector<16xi32> to vector<16xi32>
    %min3A_353 = arith.constant 999 : i32
    %min3A_354 = vector.broadcast %min3A_353 : i32 to vector<16xi32>
    %min3A_355 = arith.minsi %get3A_352, %min3A_354 : vector<16xi32>
    %swap3A_356 = arith.constant 432 : index
    %swap3A_357 = tpu.vector_load %arg5[%swap3A_356] {strides = array<i32>} : memref<512xi32, #tpu.memory_space<vmem>>, vector<16xi32>,
    %swap3A_358 = vector.shape_cast %swap3A_357 : vector<16xi32> to vector<16xi32>
    %swap3A_359 = vector.shape_cast %min3A_355 : vector<16xi32> to vector<16xi32>
    tpu.vector_store %arg5[%swap3A_356], %swap3A_359 {strides = array<i32>} : memref<512xi32, #tpu.memory_space<vmem>>, vector<16xi32>,
    %get3A_360 = arith.constant 448 : index
    %get3A_361 = tpu.vector_load %arg5[%get3A_360] {strides = array<i32>} : memref<512xi32, #tpu.memory_space<vmem>>, vector<16xi32>,
    %get3A_362 = vector.shape_cast %get3A_361 : vector<16xi32> to vector<16xi32>
    %min3A_363 = arith.constant 999 : i32
    %min3A_364 = vector.broadcast %min3A_363 : i32 to vector<16xi32>
    %min3A_365 = arith.minsi %get3A_362, %min3A_364 : vector<16xi32>
    %swap3A_366 = arith.constant 448 : index
    %swap3A_367 = tpu.vector_load %arg5[%swap3A_366] {strides = array<i32>} : memref<512xi32, #tpu.memory_space<vmem>>, vector<16xi32>,
    %swap3A_368 = vector.shape_cast %swap3A_367 : vector<16xi32> to vector<16xi32>
    %swap3A_369 = vector.shape_cast %min3A_365 : vector<16xi32> to vector<16xi32>
    tpu.vector_store %arg5[%swap3A_366], %swap3A_369 {strides = array<i32>} : memref<512xi32, #tpu.memory_space<vmem>>, vector<16xi32>,
    %get3A_370 = arith.constant 464 : index
    %get3A_371 = tpu.vector_load %arg5[%get3A_370] {strides = array<i32>} : memref<512xi32, #tpu.memory_space<vmem>>, vector<16xi32>,
    %get3A_372 = vector.shape_cast %get3A_371 : vector<16xi32> to vector<16xi32>
    %min3A_373 = arith.constant 999 : i32
    %min3A_374 = vector.broadcast %min3A_373 : i32 to vector<16xi32>
    %min3A_375 = arith.minsi %get3A_372, %min3A_374 : vector<16xi32>
    %swap3A_376 = arith.constant 464 : index
    %swap3A_377 = tpu.vector_load %arg5[%swap3A_376] {strides = array<i32>} : memref<512xi32, #tpu.memory_space<vmem>>, vector<16xi32>,
    %swap3A_378 = vector.shape_cast %swap3A_377 : vector<16xi32> to vector<16xi32>
    %swap3A_379 = vector.shape_cast %min3A_375 : vector<16xi32> to vector<16xi32>
    tpu.vector_store %arg5[%swap3A_376], %swap3A_379 {strides = array<i32>} : memref<512xi32, #tpu.memory_space<vmem>>, vector<16xi32>,
    %get3A_380 = arith.constant 480 : index
    %get3A_381 = tpu.vector_load %arg5[%get3A_380] {strides = array<i32>} : memref<512xi32, #tpu.memory_space<vmem>>, vector<16xi32>,
    %get3A_382 = vector.shape_cast %get3A_381 : vector<16xi32> to vector<16xi32>
    %min3A_383 = arith.constant 999 : i32
    %min3A_384 = vector.broadcast %min3A_383 : i32 to vector<16xi32>
    %min3A_385 = arith.minsi %get3A_382, %min3A_384 : vector<16xi32>
    %swap3A_386 = arith.constant 480 : index
    %swap3A_387 = tpu.vector_load %arg5[%swap3A_386] {strides = array<i32>} : memref<512xi32, #tpu.memory_space<vmem>>, vector<16xi32>,
    %swap3A_388 = vector.shape_cast %swap3A_387 : vector<16xi32> to vector<16xi32>
    %swap3A_389 = vector.shape_cast %min3A_385 : vector<16xi32> to vector<16xi32>
    tpu.vector_store %arg5[%swap3A_386], %swap3A_389 {strides = array<i32>} : memref<512xi32, #tpu.memory_space<vmem>>, vector<16xi32>,
    %get3A_390 = arith.constant 496 : index
    %get3A_391 = tpu.vector_load %arg5[%get3A_390] {strides = array<i32>} : memref<512xi32, #tpu.memory_space<vmem>>, vector<16xi32>,
    %get3A_392 = vector.shape_cast %get3A_391 : vector<16xi32> to vector<16xi32>
    %min3A_393 = arith.constant 999 : i32
    %min3A_394 = vector.broadcast %min3A_393 : i32 to vector<16xi32>
    %min3A_395 = arith.minsi %get3A_392, %min3A_394 : vector<16xi32>
    %swap3A_396 = arith.constant 496 : index
    %swap3A_397 = tpu.vector_load %arg5[%swap3A_396] {strides = array<i32>} : memref<512xi32, #tpu.memory_space<vmem>>, vector<16xi32>,
    %swap3A_398 = vector.shape_cast %swap3A_397 : vector<16xi32> to vector<16xi32>
    %swap3A_399 = vector.shape_cast %min3A_395 : vector<16xi32> to vector<16xi32>
    tpu.vector_store %arg5[%swap3A_396], %swap3A_399 {strides = array<i32>} : memref<512xi32, #tpu.memory_space<vmem>>, vector<16xi32>,
    %dma_start3A_400 = arith.constant 384 : i32
    %dma_start3A_401 = arith.constant 0 : i32
    %dma_start3A_402 = tpu.memref_slice %arg6[%dma_start3A_400, %dma_start3A_401] : memref<512x64xf32, #tpu.memory_space<vmem>> -> memref<128x64xf32, #tpu.memory_space<vmem>>
    %dma_start3A_403 = arith.constant 384 : i32
    %dma_start3A_404 = tpu.memref_slice %arg5[%dma_start3A_403] : memref<512xi32, #tpu.memory_space<vmem>> -> memref<128xi32, #tpu.memory_space<vmem>>
    %dma_start3A_405 = arith.constant 0 : i32
    %dma_start3A_406 = arith.constant 0 : i32
    %dma_start3A_407 = tpu.memref_slice %arg7[%dma_start3A_405, %dma_start3A_406] : memref<1000x64xf32, #tpu.memory_space<vmem_shared>> -> memref<1000x64xf32, #tpu.memory_space<vmem_shared>>
    tpu.enqueue_indirect_dma source(%dma_start3A_407 : memref<1000x64xf32, #tpu.memory_space<vmem_shared>>) target(%dma_start3A_402 : memref<128x64xf32, #tpu.memory_space<vmem>>) offsets(%dma_start3A_404 : memref<128xi32, #tpu.memory_space<vmem>>) semaphore(%arg15 : memref<!tpu.dma_semaphore, #tpu.memory_space<semaphore_mem>>)
    %dma_wait3A_408 = arith.constant 0 : i32
    %dma_wait3A_409 = arith.constant 0 : i32
    %dma_wait3A_410 = tpu.memref_slice %arg6[%dma_wait3A_408, %dma_wait3A_409] : memref<512x64xf32, #tpu.memory_space<vmem>> -> memref<128x64xf32, #tpu.memory_space<vmem>>
    %dma_wait3A_411 = arith.constant 0 : i32
    %dma_wait3A_412 = tpu.memref_slice %arg5[%dma_wait3A_411] : memref<512xi32, #tpu.memory_space<vmem>> -> memref<128xi32, #tpu.memory_space<vmem>>
    %dma_wait3A_413 = arith.constant 0 : i32
    %dma_wait3A_414 = arith.constant 0 : i32
    %dma_wait3A_415 = tpu.memref_slice %arg7[%dma_wait3A_413, %dma_wait3A_414] : memref<1000x64xf32, #tpu.memory_space<vmem_shared>> -> memref<1000x64xf32, #tpu.memory_space<vmem_shared>>
    tpu.wait_indirect_dma semaphore(%arg12 : memref<!tpu.dma_semaphore, #tpu.memory_space<semaphore_mem>>) src(%dma_wait3A_415 : memref<1000x64xf32, #tpu.memory_space<vmem_shared>>) dst(%dma_wait3A_410 : memref<128x64xf32, #tpu.memory_space<vmem>>)
    %add3A_416 = arith.constant 0 : i32
    %add3A_417 = arith.addi %mul3A_2, %add3A_416 : i32
    %dma_start3A_418 = arith.constant 0 : i32
    %dma_start3A_419 = arith.constant 0 : i32
    %dma_start3A_420 = tpu.memref_slice %arg6[%dma_start3A_418, %dma_start3A_419] : memref<512x64xf32, #tpu.memory_space<vmem>> -> memref<128x64xf32, #tpu.memory_space<vmem>>
    %dma_start3A_421 = arith.constant 0 : i32
    %dma_start3A_422 = tpu.memref_slice %arg4[%add3A_417, %dma_start3A_421] : memref<16384x64xf32, #tpu.memory_space<hbm>> -> memref<128x64xf32, #tpu.memory_space<hbm>>
    %dma_start3A_423 = arith.constant 0 : i32
    %dma_start3A_424 = tpu.memref_slice %arg4[%add3A_417, %dma_start3A_423] : memref<16384x64xf32, #tpu.memory_space<hbm>> -> memref<128x64xf32, #tpu.memory_space<hbm>>
    %dma_start3A_425 = arith.constant 0 : i32
    %dma_start3A_426 = arith.constant 0 : i32
    %dma_start3A_427 = tpu.memref_slice %arg6[%dma_start3A_425, %dma_start3A_426] : memref<512x64xf32, #tpu.memory_space<vmem>> -> memref<128x64xf32, #tpu.memory_space<vmem>>
    tpu.enqueue_dma source(%dma_start3A_427 : memref<128x64xf32, #tpu.memory_space<vmem>>) target(%dma_start3A_424 : memref<128x64xf32, #tpu.memory_space<hbm>>) target_semaphore(%arg16 : memref<!tpu.dma_semaphore, #tpu.memory_space<semaphore_mem>>)
    %dma_wait3A_428 = arith.constant 128 : i32
    %dma_wait3A_429 = arith.constant 0 : i32
    %dma_wait3A_430 = tpu.memref_slice %arg6[%dma_wait3A_428, %dma_wait3A_429] : memref<512x64xf32, #tpu.memory_space<vmem>> -> memref<128x64xf32, #tpu.memory_space<vmem>>
    %dma_wait3A_431 = arith.constant 128 : i32
    %dma_wait3A_432 = tpu.memref_slice %arg5[%dma_wait3A_431] : memref<512xi32, #tpu.memory_space<vmem>> -> memref<128xi32, #tpu.memory_space<vmem>>
    %dma_wait3A_433 = arith.constant 0 : i32
    %dma_wait3A_434 = arith.constant 0 : i32
    %dma_wait3A_435 = tpu.memref_slice %arg7[%dma_wait3A_433, %dma_wait3A_434] : memref<1000x64xf32, #tpu.memory_space<vmem_shared>> -> memref<1000x64xf32, #tpu.memory_space<vmem_shared>>
    tpu.wait_indirect_dma semaphore(%arg13 : memref<!tpu.dma_semaphore, #tpu.memory_space<semaphore_mem>>) src(%dma_wait3A_435 : memref<1000x64xf32, #tpu.memory_space<vmem_shared>>) dst(%dma_wait3A_430 : memref<128x64xf32, #tpu.memory_space<vmem>>)
    %add3A_436 = arith.constant 128 : i32
    %add3A_437 = arith.addi %mul3A_2, %add3A_436 : i32
    %dma_start3A_438 = arith.constant 128 : i32
    %dma_start3A_439 = arith.constant 0 : i32
    %dma_start3A_440 = tpu.memref_slice %arg6[%dma_start3A_438, %dma_start3A_439] : memref<512x64xf32, #tpu.memory_space<vmem>> -> memref<128x64xf32, #tpu.memory_space<vmem>>
    %dma_start3A_441 = arith.constant 0 : i32
    %dma_start3A_442 = tpu.memref_slice %arg4[%add3A_437, %dma_start3A_441] : memref<16384x64xf32, #tpu.memory_space<hbm>> -> memref<128x64xf32, #tpu.memory_space<hbm>>
    %dma_start3A_443 = arith.constant 0 : i32
    %dma_start3A_444 = tpu.memref_slice %arg4[%add3A_437, %dma_start3A_443] : memref<16384x64xf32, #tpu.memory_space<hbm>> -> memref<128x64xf32, #tpu.memory_space<hbm>>
    %dma_start3A_445 = arith.constant 128 : i32
    %dma_start3A_446 = arith.constant 0 : i32
    %dma_start3A_447 = tpu.memref_slice %arg6[%dma_start3A_445, %dma_start3A_446] : memref<512x64xf32, #tpu.memory_space<vmem>> -> memref<128x64xf32, #tpu.memory_space<vmem>>
    tpu.enqueue_dma source(%dma_start3A_447 : memref<128x64xf32, #tpu.memory_space<vmem>>) target(%dma_start3A_444 : memref<128x64xf32, #tpu.memory_space<hbm>>) target_semaphore(%arg16 : memref<!tpu.dma_semaphore, #tpu.memory_space<semaphore_mem>>)
    %dma_wait3A_448 = arith.constant 256 : i32
    %dma_wait3A_449 = arith.constant 0 : i32
    %dma_wait3A_450 = tpu.memref_slice %arg6[%dma_wait3A_448, %dma_wait3A_449] : memref<512x64xf32, #tpu.memory_space<vmem>> -> memref<128x64xf32, #tpu.memory_space<vmem>>
    %dma_wait3A_451 = arith.constant 256 : i32
    %dma_wait3A_452 = tpu.memref_slice %arg5[%dma_wait3A_451] : memref<512xi32, #tpu.memory_space<vmem>> -> memref<128xi32, #tpu.memory_space<vmem>>
    %dma_wait3A_453 = arith.constant 0 : i32
    %dma_wait3A_454 = arith.constant 0 : i32
    %dma_wait3A_455 = tpu.memref_slice %arg7[%dma_wait3A_453, %dma_wait3A_454] : memref<1000x64xf32, #tpu.memory_space<vmem_shared>> -> memref<1000x64xf32, #tpu.memory_space<vmem_shared>>
    tpu.wait_indirect_dma semaphore(%arg14 : memref<!tpu.dma_semaphore, #tpu.memory_space<semaphore_mem>>) src(%dma_wait3A_455 : memref<1000x64xf32, #tpu.memory_space<vmem_shared>>) dst(%dma_wait3A_450 : memref<128x64xf32, #tpu.memory_space<vmem>>)
    %add3A_456 = arith.constant 256 : i32
    %add3A_457 = arith.addi %mul3A_2, %add3A_456 : i32
    %dma_start3A_458 = arith.constant 256 : i32
    %dma_start3A_459 = arith.constant 0 : i32
    %dma_start3A_460 = tpu.memref_slice %arg6[%dma_start3A_458, %dma_start3A_459] : memref<512x64xf32, #tpu.memory_space<vmem>> -> memref<128x64xf32, #tpu.memory_space<vmem>>
    %dma_start3A_461 = arith.constant 0 : i32
    %dma_start3A_462 = tpu.memref_slice %arg4[%add3A_457, %dma_start3A_461] : memref<16384x64xf32, #tpu.memory_space<hbm>> -> memref<128x64xf32, #tpu.memory_space<hbm>>
    %dma_start3A_463 = arith.constant 0 : i32
    %dma_start3A_464 = tpu.memref_slice %arg4[%add3A_457, %dma_start3A_463] : memref<16384x64xf32, #tpu.memory_space<hbm>> -> memref<128x64xf32, #tpu.memory_space<hbm>>
    %dma_start3A_465 = arith.constant 256 : i32
    %dma_start3A_466 = arith.constant 0 : i32
    %dma_start3A_467 = tpu.memref_slice %arg6[%dma_start3A_465, %dma_start3A_466] : memref<512x64xf32, #tpu.memory_space<vmem>> -> memref<128x64xf32, #tpu.memory_space<vmem>>
    tpu.enqueue_dma source(%dma_start3A_467 : memref<128x64xf32, #tpu.memory_space<vmem>>) target(%dma_start3A_464 : memref<128x64xf32, #tpu.memory_space<hbm>>) target_semaphore(%arg16 : memref<!tpu.dma_semaphore, #tpu.memory_space<semaphore_mem>>)
    %dma_wait3A_468 = arith.constant 384 : i32
    %dma_wait3A_469 = arith.constant 0 : i32
    %dma_wait3A_470 = tpu.memref_slice %arg6[%dma_wait3A_468, %dma_wait3A_469] : memref<512x64xf32, #tpu.memory_space<vmem>> -> memref<128x64xf32, #tpu.memory_space<vmem>>
    %dma_wait3A_471 = arith.constant 384 : i32
    %dma_wait3A_472 = tpu.memref_slice %arg5[%dma_wait3A_471] : memref<512xi32, #tpu.memory_space<vmem>> -> memref<128xi32, #tpu.memory_space<vmem>>
    %dma_wait3A_473 = arith.constant 0 : i32
    %dma_wait3A_474 = arith.constant 0 : i32
    %dma_wait3A_475 = tpu.memref_slice %arg7[%dma_wait3A_473, %dma_wait3A_474] : memref<1000x64xf32, #tpu.memory_space<vmem_shared>> -> memref<1000x64xf32, #tpu.memory_space<vmem_shared>>
    tpu.wait_indirect_dma semaphore(%arg15 : memref<!tpu.dma_semaphore, #tpu.memory_space<semaphore_mem>>) src(%dma_wait3A_475 : memref<1000x64xf32, #tpu.memory_space<vmem_shared>>) dst(%dma_wait3A_470 : memref<128x64xf32, #tpu.memory_space<vmem>>)
    %add3A_476 = arith.constant 384 : i32
    %add3A_477 = arith.addi %mul3A_2, %add3A_476 : i32
    %dma_start3A_478 = arith.constant 384 : i32
    %dma_start3A_479 = arith.constant 0 : i32
    %dma_start3A_480 = tpu.memref_slice %arg6[%dma_start3A_478, %dma_start3A_479] : memref<512x64xf32, #tpu.memory_space<vmem>> -> memref<128x64xf32, #tpu.memory_space<vmem>>
    %dma_start3A_481 = arith.constant 0 : i32
    %dma_start3A_482 = tpu.memref_slice %arg4[%add3A_477, %dma_start3A_481] : memref<16384x64xf32, #tpu.memory_space<hbm>> -> memref<128x64xf32, #tpu.memory_space<hbm>>
    %dma_start3A_483 = arith.constant 0 : i32
    %dma_start3A_484 = tpu.memref_slice %arg4[%add3A_477, %dma_start3A_483] : memref<16384x64xf32, #tpu.memory_space<hbm>> -> memref<128x64xf32, #tpu.memory_space<hbm>>
    %dma_start3A_485 = arith.constant 384 : i32
    %dma_start3A_486 = arith.constant 0 : i32
    %dma_start3A_487 = tpu.memref_slice %arg6[%dma_start3A_485, %dma_start3A_486] : memref<512x64xf32, #tpu.memory_space<vmem>> -> memref<128x64xf32, #tpu.memory_space<vmem>>
    tpu.enqueue_dma source(%dma_start3A_487 : memref<128x64xf32, #tpu.memory_space<vmem>>) target(%dma_start3A_484 : memref<128x64xf32, #tpu.memory_space<hbm>>) target_semaphore(%arg16 : memref<!tpu.dma_semaphore, #tpu.memory_space<semaphore_mem>>)
    %dma_wait3A_488 = arith.constant 0 : i32
    %dma_wait3A_489 = arith.constant 0 : i32
    %dma_wait3A_490 = tpu.memref_slice %arg6[%dma_wait3A_488, %dma_wait3A_489] : memref<512x64xf32, #tpu.memory_space<vmem>> -> memref<128x64xf32, #tpu.memory_space<vmem>>
    %dma_wait3A_491 = arith.constant 0 : i32
    %dma_wait3A_492 = tpu.memref_slice %arg4[%add3A_417, %dma_wait3A_491] : memref<16384x64xf32, #tpu.memory_space<hbm>> -> memref<128x64xf32, #tpu.memory_space<hbm>>
    %dma_wait3A_493 = arith.constant 0 : i32
    %dma_wait3A_494 = tpu.memref_slice %arg4[%add3A_417, %dma_wait3A_493] : memref<16384x64xf32, #tpu.memory_space<hbm>> -> memref<128x64xf32, #tpu.memory_space<hbm>>
    %dma_wait3A_495 = arith.constant 0 : i32
    %dma_wait3A_496 = arith.constant 0 : i32
    %dma_wait3A_497 = tpu.memref_slice %arg6[%dma_wait3A_495, %dma_wait3A_496] : memref<512x64xf32, #tpu.memory_space<vmem>> -> memref<128x64xf32, #tpu.memory_space<vmem>>
    tpu.wait_dma2 semaphore(%arg16 : memref<!tpu.dma_semaphore, #tpu.memory_space<semaphore_mem>>) src(%dma_wait3A_497 : memref<128x64xf32, #tpu.memory_space<vmem>>) dst(%dma_wait3A_494 : memref<128x64xf32, #tpu.memory_space<hbm>>)
    %dma_wait3A_498 = arith.constant 128 : i32
    %dma_wait3A_499 = arith.constant 0 : i32
    %dma_wait3A_500 = tpu.memref_slice %arg6[%dma_wait3A_498, %dma_wait3A_499] : memref<512x64xf32, #tpu.memory_space<vmem>> -> memref<128x64xf32, #tpu.memory_space<vmem>>
    %dma_wait3A_501 = arith.constant 0 : i32
    %dma_wait3A_502 = tpu.memref_slice %arg4[%add3A_437, %dma_wait3A_501] : memref<16384x64xf32, #tpu.memory_space<hbm>> -> memref<128x64xf32, #tpu.memory_space<hbm>>
    %dma_wait3A_503 = arith.constant 0 : i32
    %dma_wait3A_504 = tpu.memref_slice %arg4[%add3A_437, %dma_wait3A_503] : memref<16384x64xf32, #tpu.memory_space<hbm>> -> memref<128x64xf32, #tpu.memory_space<hbm>>
    %dma_wait3A_505 = arith.constant 128 : i32
    %dma_wait3A_506 = arith.constant 0 : i32
    %dma_wait3A_507 = tpu.memref_slice %arg6[%dma_wait3A_505, %dma_wait3A_506] : memref<512x64xf32, #tpu.memory_space<vmem>> -> memref<128x64xf32, #tpu.memory_space<vmem>>
    tpu.wait_dma2 semaphore(%arg16 : memref<!tpu.dma_semaphore, #tpu.memory_space<semaphore_mem>>) src(%dma_wait3A_507 : memref<128x64xf32, #tpu.memory_space<vmem>>) dst(%dma_wait3A_504 : memref<128x64xf32, #tpu.memory_space<hbm>>)
    %dma_wait3A_508 = arith.constant 256 : i32
    %dma_wait3A_509 = arith.constant 0 : i32
    %dma_wait3A_510 = tpu.memref_slice %arg6[%dma_wait3A_508, %dma_wait3A_509] : memref<512x64xf32, #tpu.memory_space<vmem>> -> memref<128x64xf32, #tpu.memory_space<vmem>>
    %dma_wait3A_511 = arith.constant 0 : i32
    %dma_wait3A_512 = tpu.memref_slice %arg4[%add3A_457, %dma_wait3A_511] : memref<16384x64xf32, #tpu.memory_space<hbm>> -> memref<128x64xf32, #tpu.memory_space<hbm>>
    %dma_wait3A_513 = arith.constant 0 : i32
    %dma_wait3A_514 = tpu.memref_slice %arg4[%add3A_457, %dma_wait3A_513] : memref<16384x64xf32, #tpu.memory_space<hbm>> -> memref<128x64xf32, #tpu.memory_space<hbm>>
    %dma_wait3A_515 = arith.constant 256 : i32
    %dma_wait3A_516 = arith.constant 0 : i32
    %dma_wait3A_517 = tpu.memref_slice %arg6[%dma_wait3A_515, %dma_wait3A_516] : memref<512x64xf32, #tpu.memory_space<vmem>> -> memref<128x64xf32, #tpu.memory_space<vmem>>
    tpu.wait_dma2 semaphore(%arg16 : memref<!tpu.dma_semaphore, #tpu.memory_space<semaphore_mem>>) src(%dma_wait3A_517 : memref<128x64xf32, #tpu.memory_space<vmem>>) dst(%dma_wait3A_514 : memref<128x64xf32, #tpu.memory_space<hbm>>)
    %dma_wait3A_518 = arith.constant 384 : i32
    %dma_wait3A_519 = arith.constant 0 : i32
    %dma_wait3A_520 = tpu.memref_slice %arg6[%dma_wait3A_518, %dma_wait3A_519] : memref<512x64xf32, #tpu.memory_space<vmem>> -> memref<128x64xf32, #tpu.memory_space<vmem>>
    %dma_wait3A_521 = arith.constant 0 : i32
    %dma_wait3A_522 = tpu.memref_slice %arg4[%add3A_477, %dma_wait3A_521] : memref<16384x64xf32, #tpu.memory_space<hbm>> -> memref<128x64xf32, #tpu.memory_space<hbm>>
    %dma_wait3A_523 = arith.constant 0 : i32
    %dma_wait3A_524 = tpu.memref_slice %arg4[%add3A_477, %dma_wait3A_523] : memref<16384x64xf32, #tpu.memory_space<hbm>> -> memref<128x64xf32, #tpu.memory_space<hbm>>
    %dma_wait3A_525 = arith.constant 384 : i32
    %dma_wait3A_526 = arith.constant 0 : i32
    %dma_wait3A_527 = tpu.memref_slice %arg6[%dma_wait3A_525, %dma_wait3A_526] : memref<512x64xf32, #tpu.memory_space<vmem>> -> memref<128x64xf32, #tpu.memory_space<vmem>>
    tpu.wait_dma2 semaphore(%arg16 : memref<!tpu.dma_semaphore, #tpu.memory_space<semaphore_mem>>) src(%dma_wait3A_527 : memref<128x64xf32, #tpu.memory_space<vmem>>) dst(%dma_wait3A_524 : memref<128x64xf32, #tpu.memory_space<hbm>>)
    return
  }
}

</mosaic_0001>

<sc_bundles>
// kernel: kernel.3.cloned.1.call-start
scs
__scs_entry_jumppad:
0x0: {  	(pc) =	sbr.rel $0x88, $3  }
0x1: {  	(tag) =	ssettag $0x0;
	lr =	simm.s32 $0x1  }
0x2: {  	[smem:$0x3F9F] =	sst lr;
	_ =	strace $0xD0000000  }
0x3: {  	_ = 	snop  }
0x4: {  	_ = 	snop  }
0x5: {  	_ = 	snop  }
0x6: {  	_ = 	snop  }
0x7: {  	_ = 	snop  }
__scs_overlays_trampoline_lowered:
0x8: {  	[smem:$0x3FAE] =	sst s0  }
0x9: {  	[smem:$0x3FAF] =	sst s1  }
0xa: {  	[smem:$0x3FB0] =	sst s2  }
0xb: {  	[smem:$0x3FB1] =	sst s3  }
0xc: {  	[smem:$0x3FB2] =	sst s4  }
0xd: {  	[smem:$0x3FB3] =	sst s5  }
0xe: {  	[smem:$0x3FB4] =	sst s6  }
0xf: {  	[smem:$0x3FB5] =	sst s7  }
0x10: {  	[smem:$0x3FB6] =	sst s8  }
0x11: {  	[smem:$0x3FB7] =	sst s9;
	s0 =	simm.s32 @!p0 $0x0  }
0x12: {  	s1 =	sld [smem:$0x3F9D];
	s0 =	simm.s32 @p0 $0x1  }
0x13: {  	[smem:$0x3FB8] =	sst s0;
	s0 =	simm.s32 @!p1 $0x0  }
0x14: {  	s2 =	sld [smem:$0x3F9C];
	s0 =	simm.s32 @p1 $0x1  }
0x15: {  	[smem:$0x3FB9] =	sst s0;
	s0 =	simm.s32 @!p2 $0x0  }
0x16: {  	s3 =	sld [smem:$0x3FDB];
	s0 =	simm.s32 @p2 $0x1  }
0x17: {  	s4 =	simm.s32 $0x1BF5;
	[smem:$0x3FBB] =	sst s0  }
0x18: {  	s0 =	sld [smem:$0x3F9E];
	_ =	swait.ge [sflag:s4], $0x0  }
0x19: {  	s7 =	sld [smem:$0x3F9F]  }
0x1a: {  	s8 =	sadd.s32 $0xFFFFE003, lr  }
0x1b: {  	s9 =	sadd.s32 $0xFFFFFEF7, lr;
	s5 =	simm.s32 $0xFFFFFFFF;
	p2 =	slt.u32 s8, $0xFFFFF086  }
0x1c: {  	p1 =	slt.u32 s9, $0xF7A;
	s5 =	simm.s32 @!p2 $0x0  }
0x1d: {  	s5 =	simm.s32 @p1 $0x1;
	p0 =	seq.s32 s7, s2  }
0x1e: {  	s7 =	smul.u32 @!p0 $0xF7A, s2;
	p2 =	seq.s32 @!p0 s5, $0x0  }
0x1f: {  	s9 =	smul.u32 $0xF7A, s1;
	s8 =	simm.s32 @!p0 $0x1BF5;
	p2 =	por !p2, p0  }
0x20: {  	[sflag:s8] =	ssyncset.s32 @!p0 $0xFFFFF086;
	s6 =	sadd.s32 @!p0 s3, s7;
	s7 =	simm.s32 @!p0 $0x108  }
0x21: {  	s3 =	sadd.s32 s3, s9;
	s6 =	sadd.s32 @!p0 $0x88, s6;
	s7 =	simm.s32 @p2 $0x1082  }
0x22: {  	[simem:s7], [sflag:s8] =	dma.local @!p0 [hbm:s6], $0xF7A  }
0x23: {  	s9 =	sor.u32 $0xD0000000, s2;
	s6 =	simm.s32 $0x108;
	_ =	swait.ge @!p0 [sflag:s8], $0x0  }
0x24: {  	s3 =	sadd.s32 $0x88, s3;
	s6 =	simm.s32 @!p1 $0x1082;
	[sflag:s4] =	ssyncset.s32 $0xFFFFF086  }
0x25: {  	[simem:s6], [sflag:s4] =	dma.local [hbm:s3], $0xF7A  }
0x26: {  	[smem:$0x3F9F] =	sst s1;
	(tag) =	ssettag s2;
	_ =	strace s9  }
0x27: {  	s1 =	sld [smem:$0x3FAF]  }
0x28: {  	s2 =	sld [smem:$0x3FB0]  }
0x29: {  	s4 =	sld [smem:$0x3FB2]  }
0x2a: {  	p0 =	seq.s32 s5, $0x0;
	s5 =	sld [smem:$0x3FB3]  }
0x2b: {  	s6 =	sld [smem:$0x3FB4]  }
0x2c: {  	s7 =	sld [smem:$0x3FB5]  }
0x2d: {  	s3 =	simm.s32 $0x108;
	s8 =	sld [smem:$0x3FB6]  }
0x2e: {  	s3 =	simm.s32 @!p0 $0x1082;
	s9 =	sld [smem:$0x3FB7]  }
0x2f: {  	lr =	sadd.s32 s0, s3;
	s0 =	sld [smem:$0x3FAE]  }
0x30: {  	s3 =	sld [smem:$0x3FB1]  }
0x31: {  	[smem:$0x3FBA] =	sst s10  }
0x32: {  	s10 =	sld [smem:$0x3FB8];
	_ =	sdelay $0x3  }
0x33: {  	p0 =	seq.s32 s10, $0x1;
	s10 =	sld [smem:$0x3FBA];
	_ =	sdelay $0x3  }
0x34: {  	[smem:$0x3FBA] =	sst s10  }
0x35: {  	s10 =	sld [smem:$0x3FB9];
	_ =	sdelay $0x3  }
0x36: {  	p1 =	seq.s32 s10, $0x1;
	s10 =	sld [smem:$0x3FBA];
	_ =	sdelay $0x3  }
0x37: {  	[smem:$0x3FBA] =	sst s10  }
0x38: {  	s10 =	sld [smem:$0x3FBB]  }
0x39: {  	_ = 	snop;
	(pc) =	sbr.ind lr, $3  }
0x3a: {  	_ = 	snop  }
0x3b: {  	_ = 	snop  }
0x3c: {  	p2 =	seq.s32 s10, $0x1;
	s10 =	sld [smem:$0x3FBA]  }
0x3d: {  	_ =	shalt  }
0x3e: {  	_ =	shalt  }
0x3f: {  	_ =	shalt  }
0x40: {  	_ =	shalt  }
0x41: {  	_ =	shalt  }
0x42: {  	_ =	shalt  }
0x43: {  	_ =	shalt  }
0x44: {  	_ =	shalt  }
0x45: {  	_ =	shalt  }
0x46: {  	_ =	shalt  }
0x47: {  	_ =	shalt  }
0x48: {  	_ =	shalt  }
0x49: {  	_ =	shalt  }
0x4a: {  	_ =	shalt  }
0x4b: {  	_ =	shalt  }
0x4c: {  	_ =	shalt  }
0x4d: {  	_ =	shalt  }
0x4e: {  	_ =	shalt  }
0x4f: {  	_ =	shalt  }
0x50: {  	_ =	shalt  }
0x51: {  	_ =	shalt  }
0x52: {  	_ =	shalt  }
0x53: {  	_ =	shalt  }
0x54: {  	_ =	shalt  }
0x55: {  	_ =	shalt  }
0x56: {  	_ =	shalt  }
0x57: {  	_ =	shalt  }
0x58: {  	_ =	shalt  }
0x59: {  	_ =	shalt  }
0x5a: {  	_ =	shalt  }
0x5b: {  	_ =	shalt  }
0x5c: {  	_ =	shalt  }
0x5d: {  	_ =	shalt  }
0x5e: {  	_ =	shalt  }
0x5f: {  	_ =	shalt  }
0x60: {  	_ =	shalt  }
0x61: {  	_ =	shalt  }
0x62: {  	_ =	shalt  }
0x63: {  	_ =	shalt  }
0x64: {  	_ =	shalt  }
0x65: {  	_ =	shalt  }
0x66: {  	_ =	shalt  }
0x67: {  	_ =	shalt  }
0x68: {  	_ =	shalt  }
0x69: {  	_ =	shalt  }
0x6a: {  	_ =	shalt  }
0x6b: {  	_ =	shalt  }
0x6c: {  	_ =	shalt  }
0x6d: {  	_ =	shalt  }
0x6e: {  	_ =	shalt  }
0x6f: {  	_ =	shalt  }
0x70: {  	_ =	shalt  }
0x71: {  	_ =	shalt  }
0x72: {  	_ =	shalt  }
0x73: {  	_ =	shalt  }
0x74: {  	_ =	shalt  }
0x75: {  	_ =	shalt  }
0x76: {  	_ =	shalt  }
0x77: {  	_ =	shalt  }
0x78: {  	_ =	shalt  }
0x79: {  	_ =	shalt  }
0x7a: {  	_ =	shalt  }
0x7b: {  	_ =	shalt  }
0x7c: {  	_ =	shalt  }
0x7d: {  	_ =	shalt  }
0x7e: {  	_ =	shalt  }
0x7f: {  	_ =	shalt  }
0x80: {  	_ =	shalt  }
0x81: {  	_ =	shalt  }
0x82: {  	_ =	shalt  }
0x83: {  	_ =	shalt  }
0x84: {  	_ =	shalt  }
0x85: {  	_ =	shalt  }
0x86: {  	_ =	shalt  }
0x87: {  	_ =	shalt  }
.Lfunc_end0:
.L_simem_size_0:
called_computation_lowered:
.L_overlay_start_0:
0x88: {  	s2 =	sld [smem:$0x3FD9]  }
0x89: {  	s3 =	sld [smem:$0x3FFE];
	_ =	sdelay $0x1  }
0x8a: {  	s1 =	srdreg.scid  }
0x8b: {  	s0 =	sand.u32 $0x1, s1  }
0x8c: {  	s17 =	sshll.u32 s0, $0xA;
	s2 =	sadd.s32 s3, s2  }
0x8d: {  	s2 =	sadd.s32 s2, s17  }
0x8e: {  	[smem:$0x3FC6] =	sst s2  }
0x8f: {  	_ = 	snop  }
0x90: {  	s2 =	sld [smem:$0x3FC9]  }
0x91: {  	s18 =	sld [smem:$0x3FD0];
	(tm) =	ssettm $0x1  }
0x92: {  	s4 =	sld [smem:$0x3FFB];
	_ =	sdelay $0x3  }
0x93: {  	_ =	strace s4  }
0x94: {  	s4 =	sld [smem:$0x3FFC];
	_ =	sdelay $0x3  }
0x95: {  	_ =	strace s4  }
0x96: {  	s4 =	sld [smem:$0x3FFD];
	_ =	sdelay $0x3  }
0x97: {  	_ =	strace s4  }
0x98: {  	_ =	strace $0x8FFFFFFF  }
0x99: {  	s19 =	sld [smem:$0x3FDB];
	_ =	sdelay $0x1  }
0x9a: {  	s5 =	simm.s32 $_scs_section_size  }
0x9b: {  	s6 =	simm.s32 $_size__tile_overlayer_lowered;
	s7 =	simm.s32 $_tile_overlayer_lowered  }
0x9c: {  	s22 =	simm.s32 $0x1BFF;
	s21 =	sshll.u32 s7, $0x1;
	s4 =	sadd.s32 s5, s19  }
0x9d: {  	s8 =	simm.s32 $0x0;
	s20 =	sshll.u32 s6, $0x1;
	s6 =	sadd.s32 s21, s4  }
0x9e: {  	[timem:s8], [sflag:s22] =	dma.local [hbm:s6], s20  }
0x9f: {  	_ =	swait.ge [sflag:s22], s20  }
0xa0: {  	s5 =	ssub.s32 $0x0, s20;
	[sflag:s22] =	ssyncset.done $0x0  }
0xa1: {  	[sflag:s22] =	ssyncadd.s32 s5;
	_ =	sdelay $0x1  }
0xa2: {  	s23 =	simm.s32 $0x1B8B  }
0xa3: {  	_ =	swait.ge [sflag:s23], $0x1  }
0xa4: {  	[sflag:s23] =	ssyncset.done $0x0  }
0xa5: {  	s25 =	simm.s32 $0x1B8E;
	s24 =	sld [smem:$0x3FFE];
	[sflag:s23] =	ssyncadd.s32 $0xFFFFFFFF  }
0xa6: {  	s26 =	simm.s32 $execute0_lowered;
	[smem:$0x3FD2] =	sst s25  }
0xa7: {  	s6 =	sshll.u32 s26, $0x1;
	_ =	strace $0x80000046;
	[dreg:$0x1] =	wrdreg $0xFFFFFFFF  }
0xa8: {  	s28 =	simm.s32 $_size_execute0_lowered;
	s4 =	sadd.s32 s4, s6;
	[dreg:$0x0] =	wrdreg $0x0  }
0xa9: {  	s6 =	sshll.u32 s28, $0x1;
	[dreg:$0x2] =	wrdreg s4  }
0xaa: {  	[dreg:$0x3] =	wrdreg s6  }
0xab: {  	[dreg:$0x4] =	wrdreg $0xC0  }
0xac: {  	_ =	task [dreg:s8], $0x5FFFF  }
0xad: {  	[dreg:$0x1] =	wrdreg $0xFFFFFFFF  }
0xae: {  	[dreg:$0x0] =	wrdreg $0x60  }
0xaf: {  	[dreg:$0x2] =	wrdreg s2  }
0xb0: {  	[dreg:$0x3] =	wrdreg s24  }
0xb1: {  	[dreg:$0x4] =	wrdreg s18  }
0xb2: {  	[dreg:$0x5] =	wrdreg $0x82000  }
0xb3: {  	[dreg:$0x6] =	wrdreg $0x9  }
0xb4: {  	_ =	task.clear_ibuf [dreg:s8], $0x7FFFF;
	_ =	strace $0x90000046  }
0xb5: {  	s29 =	simm.s32 $0x9;
	_ =	strace $0x80000048  }
0xb6: {  	_ =	swait.ge [sflag:s29], $0x1  }
0xb7: {  	[sflag:s29] =	ssyncadd.s32 $0xFFFFFFFF  }
0xb8: {  	_ =	strace $0x90000048  }
0xb9: {  	_ =	sfence  }
0xba: {  	s30 =	sld [smem:$0x0];
	_ =	sdelay $0x2  }
0xbb: {  	s31 =	sshll.u32 s1, $0xD;
	s1 =	sshrl.u32 s1, $0x2  }
0xbc: {  	s3 =	sand.u32 $0x4000, s31;
	s1 =	sadd.s32 s1, s30  }
0xbd: {  	s0 =	sor.u32 s3, s0;
	s1 =	sshll.u32 s1, $0x11  }
0xbe: {  	s0 =	sor.u32 s1, s0  }
0xbf: {  	s0 =	sadd.s32 $0x8F2B, s0  }
0xc0: {  	[sflag:s0] =	ssyncadd.remote.s32 $0x1  }
0xc1: {  	_ =	sfence.sel $0xFFFF  }
0xc2: {  	[dreg:$0x0] =	wrdreg $0xFFFFFFFF;
	(pc) =	sbr.abs _section_cstart, $3  }
0xc3: {  	[dreg:$0x1] =	wrdreg $0xFFFFFFFF  }
0xc4: {  	_ =	task.clear_ibuf [dreg:s8], $0x2FFFF;
	_ =	strace $0x9FFFFFFF  }
0xc5: {  	(tm) =	ssettm $0x7FFFFFFF  }
tec
execute0_lowered:
.L_overlay_start_1:
0x0: {  	(tag) =	ssettag $0x1  }
0x1: {  	s4 =	rddreg [dreg:$0x0]  }
0x2: {  	s0 =	rddreg [dreg:$0x1]  }
0x3: {  	s20 =	rddreg [dreg:$0x2]  }
0x4: {  	s3 =	rddreg [dreg:$0x3]  }
0x5: {  	s2 =	srdreg.scid;
	s1 =	stileid.u32  }
0x6: {  	s21 =	sand.u32 $0x1, s2;
	s2 =	simm.s32 $0x0;
	s5 =	sshll.u32 s1, $0xA  }
0x7: {  	s9 =	smul.u32 $0x1F40, s1;
	p0 =	sgt.u32 s1, $0x7;
	s6 =	sshll.u32 s21, $0x9  }
0x8: {  	[smem:$0x7FF] =	sst s2;
	s13 =	simm.s32 @!p0 $0xA;
	s18 =	sor.u32 s6, s5  }
0x9: {  	_ =	strace $0x80000047;
	s22 =	sshrl.u32 s9, $0x3;
	s12 =	sadd.s32 s9, s3  }
0xa: {  	s5 =	sshrl.u32 s18, $0x3;
	s23 =	sor.u32 $0x80, s18;
	s10 =	sadd.s32 s22, s0  }
0xb: {  	s22 =	sor.u32 $0x100, s18;
	s25 =	sor.u32 $0x180, s18;
	s5 =	sadd.s32 s4, s5  }
0xc: {  	s24 =	sshrl.u32 s23, $0x3;
	s26 =	sshrl.u32 s22, $0x3;
	[dreg:$0x5] =	wrdreg s5  }
0xd: {  	s8 =	sshrl.u32 s25, $0x3;
	s6 =	sadd.s32 s4, s24;
	s11 =	rddreg [dreg:$0x5]  }
0xe: {  	[tilespmem:s2], [sflag:$0x1] =	stream.linear.gather [hbm4b:s11+s2], $0x80, $0x38;
	[tilespmem:$0x91A0] =	vst v63  }
0xf: {  	s7 =	sadd.s32 s4, s26;
	s8 =	sadd.s32 s4, s8;
	s4 =	simm.s32 $0x80  }
0x10: {  	[tilespmem:s4], [sflag:$0x2] =	stream.linear.gather [hbm4b:s6+s2], $0x80, $0x38;
	[tilespmem:$0x91A0] =	vst v63  }
0x11: {  	s9 =	sadd.s32 $0x400, s10;
	s10 =	simm.s32 $0x100;
	s11 =	sshll.u32 @!p0 s1, $0x6  }
0x12: {  	[tilespmem:s10], [sflag:$0x3] =	stream.linear.gather [hbm4b:s7+s2], $0x80, $0x38;
	[tilespmem:$0x91A0] =	vst v63  }
0x13: {  	s12 =	sshrl.u32 @!p0 s12, $0x3;
	s5 =	simm.s32 $0x180;
	s11 =	sor.u32 @!p0 $0x1C0A, s11  }
0x14: {  	[tilespmem:s5], [sflag:$0x4] =	stream.linear.gather [hbm4b:s8+s2], $0x80, $0x38;
	[tilespmem:$0x91A0] =	vst v63  }
0x15: {  	[spmem:s12], [sflag:s11] =	dma.local @!p0 [hbm:s9], $0x3E8  }
0x16: {  	_ =	swait.ge @!p0 [sflag:s13], $0x3E8  }
0x17: {  	[sflag:s13] =	ssyncset.done @!p0 $0x0  }
0x18: {  	[sflag:s13] =	ssyncadd.s32 @!p0 $0xFFFFFC18  }
0x19: {  	s15 =	simm.s32 $0x1;
	[bflag:$0x0] =	sbarrier.arrive $0xFFFF  }
0x1a: {  	_ =	swait.ge [sflag:s15], $0x80  }
0x1b: {  	[sflag:s15] =	ssyncset.done $0x0  }
0x1c: {  	[sflag:s15] =	ssyncadd.s32 $0xFFFFFF80  }
0x1d: {  	v0 =	vld [tilespmem:$0x60]  }
0x1e: {  	v1 =	vld [tilespmem:$0x50]  }
0x1f: {  	v2 =	vld [tilespmem:$0x30]  }
0x20: {  	v3 =	vld [tilespmem:$0x70]  }
0x21: {  	v4 =	vld [tilespmem:$0x10]  }
0x22: {  	v5 =	vld [tilespmem:$0x40];
	vm0 =	vlt.s32 v0, $0x3E7  }
0x23: {  	v6 =	vld [tilespmem:$0x20];
	vm1 =	vlt.s32 v1, $0x3E7;
	v0 =	vnsel vm0, $0x3E7, v0  }
0x24: {  	v7 =	vld [tilespmem:$0x0];
	vm6 =	vlt.s32 v2, $0x3E7;
	v1 =	vnsel vm1, $0x3E7, v1;
	[tilespmem:$0x60] =	vst v0  }
0x25: {  	vm7 =	vlt.s32 v3, $0x3E7;
	v31 =	vnsel vm6, $0x3E7, v2;
	[tilespmem:$0x50] =	vst v1  }
0x26: {  	vm8 =	vlt.s32 v4, $0x3E7;
	v32 =	vnsel vm7, $0x3E7, v3;
	[tilespmem:$0x30] =	vst v31  }
0x27: {  	vm9 =	vlt.s32 v5, $0x3E7;
	v33 =	vnsel vm8, $0x3E7, v4;
	[tilespmem:$0x70] =	vst v32  }
0x28: {  	vm10 =	vlt.s32 v6, $0x3E7;
	v34 =	vnsel vm9, $0x3E7, v5;
	[tilespmem:$0x10] =	vst v33  }
0x29: {  	vm11 =	vlt.s32 v7, $0x3E7;
	v35 =	vnsel vm10, $0x3E7, v6;
	[tilespmem:$0x40] =	vst v34  }
0x2a: {  	v36 =	vnsel vm11, $0x3E7, v7;
	[tilespmem:$0x20] =	vst v35  }
0x2b: {  	s14 =	simm.s32 $0x200;
	s17 =	simm.s32 $0x2;
	[tilespmem:$0x0] =	vst v36  }
0x2c: {  	[tilespmem:s14], [sflag:$0x5] =	stream.indirect.gather [spmem:s3], $0x40, s2, s4, $0xb8;
	[tilespmem:$0x91A0] =	vst v63  }
0x2d: {  	_ =	swait.ge [sflag:s17], $0x80  }
0x2e: {  	[sflag:s17] =	ssyncset.done $0x0  }
0x2f: {  	[sflag:s17] =	ssyncadd.s32 $0xFFFFFF80  }
0x30: {  	v37 =	vld [tilespmem:$0x90]  }
0x31: {  	v38 =	vld [tilespmem:$0xE0]  }
0x32: {  	v39 =	vld [tilespmem:$0xA0]  }
0x33: {  	v40 =	vld [tilespmem:$0x80]  }
0x34: {  	v41 =	vld [tilespmem:$0xB0]  }
0x35: {  	v42 =	vld [tilespmem:$0xF0];
	vm12 =	vlt.s32 v37, $0x3E7  }
0x36: {  	v43 =	vld [tilespmem:$0xD0];
	vm13 =	vlt.s32 v38, $0x3E7;
	v0 =	vnsel vm12, $0x3E7, v37  }
0x37: {  	v44 =	vld [tilespmem:$0xC0];
	vm14 =	vlt.s32 v39, $0x3E7;
	v1 =	vnsel vm13, $0x3E7, v38;
	[tilespmem:$0x90] =	vst v0  }
0x38: {  	vm15 =	vlt.s32 v40, $0x3E7;
	v2 =	vnsel vm14, $0x3E7, v39;
	[tilespmem:$0xE0] =	vst v1  }
0x39: {  	vm4 =	vlt.s32 v41, $0x3E7;
	v45 =	vnsel vm15, $0x3E7, v40;
	[tilespmem:$0xA0] =	vst v2  }
0x3a: {  	vm5 =	vlt.s32 v42, $0x3E7;
	v46 =	vnsel vm4, $0x3E7, v41;
	[tilespmem:$0x80] =	vst v45  }
0x3b: {  	vm6 =	vlt.s32 v43, $0x3E7;
	v47 =	vnsel vm5, $0x3E7, v42;
	[tilespmem:$0xB0] =	vst v46  }
0x3c: {  	vm7 =	vlt.s32 v44, $0x3E7;
	v48 =	vnsel vm6, $0x3E7, v43;
	[tilespmem:$0xF0] =	vst v47  }
0x3d: {  	v0 =	vnsel vm7, $0x3E7, v44;
	[tilespmem:$0xD0] =	vst v48  }
0x3e: {  	s16 =	simm.s32 $0x2200;
	s19 =	simm.s32 $0x3;
	[tilespmem:$0xC0] =	vst v0  }
0x3f: {  	[tilespmem:s16], [sflag:$0x6] =	stream.indirect.gather [spmem:s3], $0x40, s4, s4, $0xb8;
	[tilespmem:$0x91A0] =	vst v63  }
0x40: {  	_ =	swait.ge [sflag:s19], $0x80  }
0x41: {  	[sflag:s19] =	ssyncset.done $0x0  }
0x42: {  	[sflag:s19] =	ssyncadd.s32 $0xFFFFFF80  }
0x43: {  	v49 =	vld [tilespmem:$0x100]  }
0x44: {  	v50 =	vld [tilespmem:$0x110]  }
0x45: {  	v51 =	vld [tilespmem:$0x120]  }
0x46: {  	v52 =	vld [tilespmem:$0x130]  }
0x47: {  	v53 =	vld [tilespmem:$0x160]  }
0x48: {  	v54 =	vld [tilespmem:$0x170];
	vm8 =	vlt.s32 v49, $0x3E7  }
0x49: {  	v55 =	vld [tilespmem:$0x150];
	vm9 =	vlt.s32 v50, $0x3E7;
	v0 =	vnsel vm8, $0x3E7, v49  }
0x4a: {  	v57 =	vld [tilespmem:$0x140];
	vm10 =	vlt.s32 v51, $0x3E7;
	v56 =	vnsel vm9, $0x3E7, v50;
	[tilespmem:$0x100] =	vst v0  }
0x4b: {  	s21 =	ssub.s32 $0x2, s21;
	vm11 =	vlt.s32 v52, $0x3E7;
	v58 =	vnsel vm10, $0x3E7, v51;
	[tilespmem:$0x110] =	vst v56  }
0x4c: {  	s24 =	sshrl.u32 s21, $0x1;
	vm12 =	vlt.s32 v53, $0x3E7;
	v59 =	vnsel vm11, $0x3E7, v52;
	[tilespmem:$0x120] =	vst v58  }
0x4d: {  	s31 =	simm.s32 $0x4;
	s30 =	simm.s32 $0x5;
	s24 =	ssub.s32 s21, s24;
	vm13 =	vlt.s32 v54, $0x3E7;
	v60 =	vnsel vm12, $0x3E7, v53;
	[tilespmem:$0x130] =	vst v59  }
0x4e: {  	s29 =	simm.s32 $0x6;
	s28 =	simm.s32 $0x7;
	s24 =	smax.u32 s24, $0x1;
	vm14 =	vlt.s32 v55, $0x3E7;
	v61 =	vnsel vm13, $0x3E7, v54;
	[tilespmem:$0x160] =	vst v60  }
0x4f: {  	s18 =	sshll.u32 s18, $0x3;
	s23 =	sshll.u32 s23, $0x3;
	s0 =	sadd.s32 $0xFFFFFFFF, s24;
	vm15 =	vlt.s32 v57, $0x3E7;
	v62 =	vnsel vm14, $0x3E7, v55;
	[tilespmem:$0x170] =	vst v61  }
0x50: {  	s22 =	sshll.u32 s22, $0x3;
	s25 =	sshll.u32 s25, $0x3;
	p1 =	sne.s32 s0, $0x0;
	v63 =	vnsel vm15, $0x3E7, v57;
	[tilespmem:$0x150] =	vst v62  }
.Ltmp0:
0x51: {  	s21 =	sadd.s32 s20, s18;
	s18 =	simm.s32 $0x4200;
	[tilespmem:$0x140] =	vst v63;
	(pc) =	sbr.rel @!p1 .LBB2_2-.Ltmp0, $4  }
0x52: {  	[tilespmem:s18], [sflag:$0x7] =	stream.indirect.gather [spmem:s3], $0x40, s10, s4, $0xb8;
	[tilespmem:$0x91A0] =	vst v63  }
0x53: {  	s23 =	sadd.s32 s20, s23;
	s22 =	sadd.s32 s20, s22;
	_ =	swait.ge [sflag:s31], $0x80  }
0x54: {  	s26 =	simm.s32 $0x8;
	s24 =	sadd.s32 s20, s25;
	[sflag:s31] =	ssyncset.done $0x0  }
0x55: {  	s25 =	simm.s32 $0x6200;
	s20 =	simm.s32 $0x9;
	[sflag:s31] =	ssyncadd.s32 $0xFFFFFF80  }
.LBB2_1:
0x56: {  	v0 =	vld [tilespmem:$0x1F0]  }
0x57: {  	v1 =	vld [tilespmem:$0x1E0]  }
0x58: {  	v2 =	vld [tilespmem:$0x1D0]  }
0x59: {  	v3 =	vld [tilespmem:$0x1C0]  }
0x5a: {  	v4 =	vld [tilespmem:$0x1B0]  }
0x5b: {  	v5 =	vld [tilespmem:$0x1A0];
	vm0 =	vlt.s32 v0, $0x3E7  }
0x5c: {  	v6 =	vld [tilespmem:$0x190];
	vm1 =	vlt.s32 v1, $0x3E7;
	v0 =	vnsel vm0, $0x3E7, v0  }
0x5d: {  	v7 =	vld [tilespmem:$0x180];
	vm10 =	vlt.s32 v2, $0x3E7;
	v1 =	vnsel vm1, $0x3E7, v1;
	[tilespmem:$0x1F0] =	vst v0  }
0x5e: {  	vm11 =	vlt.s32 v3, $0x3E7;
	v18 =	vnsel vm10, $0x3E7, v2;
	[tilespmem:$0x1E0] =	vst v1  }
0x5f: {  	vm12 =	vlt.s32 v4, $0x3E7;
	v19 =	vnsel vm11, $0x3E7, v3;
	[tilespmem:$0x1D0] =	vst v18  }
0x60: {  	vm13 =	vlt.s32 v5, $0x3E7;
	v20 =	vnsel vm12, $0x3E7, v4;
	[tilespmem:$0x1C0] =	vst v19  }
0x61: {  	vm14 =	vlt.s32 v6, $0x3E7;
	v21 =	vnsel vm13, $0x3E7, v5;
	[tilespmem:$0x1B0] =	vst v20  }
0x62: {  	vm15 =	vlt.s32 v7, $0x3E7;
	v22 =	vnsel vm14, $0x3E7, v6;
	[tilespmem:$0x1A0] =	vst v21  }
0x63: {  	v23 =	vnsel vm15, $0x3E7, v7;
	[tilespmem:$0x190] =	vst v22  }
0x64: {  	[tilespmem:$0x180] =	vst v23  }
0x65: {  	[tilespmem:s25], [sflag:$0x8] =	stream.indirect.gather [spmem:s3], $0x40, s5, s4, $0xb8;
	[tilespmem:$0x91A0] =	vst v63  }
0x66: {  	_ =	swait.ge [sflag:s30], $0x2000  }
0x67: {  	[sflag:s30] =	ssyncset.done $0x0  }
0x68: {  	[sflag:s30] =	ssyncadd.s32 $0xFFFFE000  }
0x69: {  	[hbm4b:s21+s2] =	stream.linear.scatter [tilespmem:s14], [sflag:$0x9], $0x2000, $0x38;
	[tilespmem:$0x91A0] =	vst v63  }
0x6a: {  	_ =	swait.ge [sflag:s29], $0x2000  }
0x6b: {  	[sflag:s29] =	ssyncset.done $0x0  }
0x6c: {  	[sflag:s29] =	ssyncadd.s32 $0xFFFFE000  }
0x6d: {  	[hbm4b:s23+s2] =	stream.linear.scatter [tilespmem:s16], [sflag:$0x9], $0x2000, $0x38;
	[tilespmem:$0x91A0] =	vst v63  }
0x6e: {  	_ =	swait.ge [sflag:s28], $0x2000  }
0x6f: {  	[sflag:s28] =	ssyncset.done $0x0  }
0x70: {  	[sflag:s28] =	ssyncadd.s32 $0xFFFFE000  }
0x71: {  	[hbm4b:s22+s2] =	stream.linear.scatter [tilespmem:s18], [sflag:$0x9], $0x2000, $0x38;
	[tilespmem:$0x91A0] =	vst v63  }
0x72: {  	_ =	swait.ge [sflag:s26], $0x2000  }
0x73: {  	[sflag:s26] =	ssyncset.done $0x0  }
0x74: {  	[sflag:s26] =	ssyncadd.s32 $0xFFFFE000  }
0x75: {  	[hbm4b:s24+s2] =	stream.linear.scatter [tilespmem:s25], [sflag:$0x9], $0x2000, $0x38;
	[tilespmem:$0x91A0] =	vst v63  }
0x76: {  	_ =	swait.ge [sflag:s20], $0x2000  }
0x77: {  	[sflag:s20] =	ssyncset.done $0x0  }
0x78: {  	[sflag:s20] =	ssyncadd.s32 $0xFFFFE000  }
0x79: {  	_ =	swait.ge [sflag:s20], $0x2000  }
0x7a: {  	[sflag:s20] =	ssyncset.done $0x0  }
0x7b: {  	[sflag:s20] =	ssyncadd.s32 $0xFFFFE000  }
0x7c: {  	_ =	swait.ge [sflag:s20], $0x2000  }
0x7d: {  	[sflag:s20] =	ssyncset.done $0x0  }
0x7e: {  	[sflag:s20] =	ssyncadd.s32 $0xFFFFE000  }
0x7f: {  	_ =	swait.ge [sflag:s20], $0x2000  }
0x80: {  	[sflag:s20] =	ssyncset.done $0x0  }
0x81: {  	s1 =	rddreg [dreg:$0x5];
	[sflag:s20] =	ssyncadd.s32 $0xFFFFE000  }
0x82: {  	[tilespmem:s2], [sflag:$0x1] =	stream.linear.gather [hbm4b:s1+s2], $0x80, $0x38;
	[tilespmem:$0x91A0] =	vst v63  }
0x83: {  	_ = 	snop  }
0x84: {  	[tilespmem:s4], [sflag:$0x2] =	stream.linear.gather [hbm4b:s6+s2], $0x80, $0x38;
	[tilespmem:$0x91A0] =	vst v63  }
0x85: {  	_ = 	snop  }
0x86: {  	[tilespmem:s10], [sflag:$0x3] =	stream.linear.gather [hbm4b:s7+s2], $0x80, $0x38;
	[tilespmem:$0x91A0] =	vst v63  }
0x87: {  	_ = 	snop  }
0x88: {  	[tilespmem:s5], [sflag:$0x4] =	stream.linear.gather [hbm4b:s8+s2], $0x80, $0x38;
	[tilespmem:$0x91A0] =	vst v63  }
0x89: {  	[spmem:s12], [sflag:s11] =	dma.local @!p0 [hbm:s9], $0x3E8  }
0x8a: {  	_ =	swait.ge @!p0 [sflag:s13], $0x3E8  }
0x8b: {  	[sflag:s13] =	ssyncset.done @!p0 $0x0  }
0x8c: {  	[sflag:s13] =	ssyncadd.s32 @!p0 $0xFFFFFC18  }
0x8d: {  	[bflag:$0x0] =	sbarrier.arrive $0xFFFF  }
0x8e: {  	_ =	swait.ge [sflag:s15], $0x80  }
0x8f: {  	[sflag:s15] =	ssyncset.done $0x0  }
0x90: {  	[sflag:s15] =	ssyncadd.s32 $0xFFFFFF80  }
0x91: {  	v24 =	vld [tilespmem:$0x60]  }
0x92: {  	v25 =	vld [tilespmem:$0x50]  }
0x93: {  	v26 =	vld [tilespmem:$0x30]  }
0x94: {  	v27 =	vld [tilespmem:$0x70]  }
0x95: {  	v28 =	vld [tilespmem:$0x10]  }
0x96: {  	v29 =	vld [tilespmem:$0x40];
	vm4 =	vlt.s32 v24, $0x3E7  }
0x97: {  	v30 =	vld [tilespmem:$0x20];
	vm5 =	vlt.s32 v25, $0x3E7;
	v0 =	vnsel vm4, $0x3E7, v24  }
0x98: {  	v31 =	vld [tilespmem:$0x0];
	vm6 =	vlt.s32 v26, $0x3E7;
	v1 =	vnsel vm5, $0x3E7, v25;
	[tilespmem:$0x60] =	vst v0  }
0x99: {  	vm7 =	vlt.s32 v27, $0x3E7;
	v32 =	vnsel vm6, $0x3E7, v26;
	[tilespmem:$0x50] =	vst v1  }
0x9a: {  	vm8 =	vlt.s32 v28, $0x3E7;
	v33 =	vnsel vm7, $0x3E7, v27;
	[tilespmem:$0x30] =	vst v32  }
0x9b: {  	vm9 =	vlt.s32 v29, $0x3E7;
	v34 =	vnsel vm8, $0x3E7, v28;
	[tilespmem:$0x70] =	vst v33  }
0x9c: {  	vm10 =	vlt.s32 v30, $0x3E7;
	v35 =	vnsel vm9, $0x3E7, v29;
	[tilespmem:$0x10] =	vst v34  }
0x9d: {  	vm11 =	vlt.s32 v31, $0x3E7;
	v36 =	vnsel vm10, $0x3E7, v30;
	[tilespmem:$0x40] =	vst v35  }
0x9e: {  	v37 =	vnsel vm11, $0x3E7, v31;
	[tilespmem:$0x20] =	vst v36  }
0x9f: {  	[tilespmem:$0x0] =	vst v37  }
0xa0: {  	[tilespmem:s14], [sflag:$0x5] =	stream.indirect.gather [spmem:s3], $0x40, s2, s4, $0xb8;
	[tilespmem:$0x91A0] =	vst v63  }
0xa1: {  	_ =	swait.ge [sflag:s17], $0x80  }
0xa2: {  	[sflag:s17] =	ssyncset.done $0x0  }
0xa3: {  	[sflag:s17] =	ssyncadd.s32 $0xFFFFFF80  }
0xa4: {  	v38 =	vld [tilespmem:$0x90]  }
0xa5: {  	v40 =	vld [tilespmem:$0xE0]  }
0xa6: {  	v41 =	vld [tilespmem:$0xA0]  }
0xa7: {  	v42 =	vld [tilespmem:$0x80]  }
0xa8: {  	v39 =	vld [tilespmem:$0xB0]  }
0xa9: {  	v43 =	vld [tilespmem:$0xF0];
	vm12 =	vlt.s32 v38, $0x3E7  }
0xaa: {  	v44 =	vld [tilespmem:$0xD0];
	vm14 =	vlt.s32 v40, $0x3E7;
	v0 =	vnsel vm12, $0x3E7, v38  }
0xab: {  	v45 =	vld [tilespmem:$0xC0];
	vm15 =	vlt.s32 v41, $0x3E7;
	v2 =	vnsel vm14, $0x3E7, v40;
	[tilespmem:$0x90] =	vst v0  }
0xac: {  	vm4 =	vlt.s32 v42, $0x3E7;
	v3 =	vnsel vm15, $0x3E7, v41;
	[tilespmem:$0xE0] =	vst v2  }
0xad: {  	vm13 =	vlt.s32 v39, $0x3E7;
	v46 =	vnsel vm4, $0x3E7, v42;
	[tilespmem:$0xA0] =	vst v3  }
0xae: {  	vm5 =	vlt.s32 v43, $0x3E7;
	v1 =	vnsel vm13, $0x3E7, v39;
	[tilespmem:$0x80] =	vst v46  }
0xaf: {  	vm6 =	vlt.s32 v44, $0x3E7;
	v47 =	vnsel vm5, $0x3E7, v43;
	[tilespmem:$0xB0] =	vst v1  }
0xb0: {  	vm7 =	vlt.s32 v45, $0x3E7;
	v48 =	vnsel vm6, $0x3E7, v44;
	[tilespmem:$0xF0] =	vst v47  }
0xb1: {  	v0 =	vnsel vm7, $0x3E7, v45;
	[tilespmem:$0xD0] =	vst v48  }
0xb2: {  	[tilespmem:$0xC0] =	vst v0  }
0xb3: {  	[tilespmem:s16], [sflag:$0x6] =	stream.indirect.gather [spmem:s3], $0x40, s4, s4, $0xb8;
	[tilespmem:$0x91A0] =	vst v63  }
0xb4: {  	_ =	swait.ge [sflag:s19], $0x80  }
0xb5: {  	[sflag:s19] =	ssyncset.done $0x0  }
0xb6: {  	[sflag:s19] =	ssyncadd.s32 $0xFFFFFF80  }
0xb7: {  	v49 =	vld [tilespmem:$0x100]  }
0xb8: {  	v50 =	vld [tilespmem:$0x110]  }
0xb9: {  	v51 =	vld [tilespmem:$0x120]  }
0xba: {  	v52 =	vld [tilespmem:$0x130]  }
0xbb: {  	v53 =	vld [tilespmem:$0x160]  }
0xbc: {  	v54 =	vld [tilespmem:$0x170];
	vm8 =	vlt.s32 v49, $0x3E7  }
0xbd: {  	v55 =	vld [tilespmem:$0x150];
	vm9 =	vlt.s32 v50, $0x3E7;
	v0 =	vnsel vm8, $0x3E7, v49  }
0xbe: {  	v57 =	vld [tilespmem:$0x140];
	vm10 =	vlt.s32 v51, $0x3E7;
	v56 =	vnsel vm9, $0x3E7, v50;
	[tilespmem:$0x100] =	vst v0  }
0xbf: {  	vm11 =	vlt.s32 v52, $0x3E7;
	v58 =	vnsel vm10, $0x3E7, v51;
	[tilespmem:$0x110] =	vst v56  }
0xc0: {  	vm12 =	vlt.s32 v53, $0x3E7;
	v59 =	vnsel vm11, $0x3E7, v52;
	[tilespmem:$0x120] =	vst v58  }
0xc1: {  	vm13 =	vlt.s32 v54, $0x3E7;
	v60 =	vnsel vm12, $0x3E7, v53;
	[tilespmem:$0x130] =	vst v59  }
0xc2: {  	vm14 =	vlt.s32 v55, $0x3E7;
	v61 =	vnsel vm13, $0x3E7, v54;
	[tilespmem:$0x160] =	vst v60  }
0xc3: {  	s0 =	sadd.s32 $0xFFFFFFFF, s0;
	vm15 =	vlt.s32 v57, $0x3E7;
	v62 =	vnsel vm14, $0x3E7, v55;
	[tilespmem:$0x170] =	vst v61  }
0xc4: {  	p1 =	sne.s32 s0, $0x0;
	v63 =	vnsel vm15, $0x3E7, v57;
	[tilespmem:$0x150] =	vst v62  }
.Ltmp1:
0xc5: {  	[tilespmem:$0x140] =	vst v63;
	(pc) =	sbr.rel @p1 .LBB2_1-.Ltmp1, $4  }
0xc6: {  	[tilespmem:s18], [sflag:$0x7] =	stream.indirect.gather [spmem:s3], $0x40, s10, s4, $0xb8;
	[tilespmem:$0x91A0] =	vst v63  }
0xc7: {  	_ =	swait.ge [sflag:s31], $0x80  }
0xc8: {  	[sflag:s31] =	ssyncset.done $0x0  }
0xc9: {  	[sflag:s31] =	ssyncadd.s32 $0xFFFFFF80  }
.LBB2_2:
0xca: {  	v0 =	vld [tilespmem:$0x1F0]  }
0xcb: {  	v1 =	vld [tilespmem:$0x1E0]  }
0xcc: {  	v2 =	vld [tilespmem:$0x1D0]  }
0xcd: {  	v3 =	vld [tilespmem:$0x1C0]  }
0xce: {  	v4 =	vld [tilespmem:$0x1B0]  }
0xcf: {  	v5 =	vld [tilespmem:$0x1A0];
	vm0 =	vlt.s32 v0, $0x3E7  }
0xd0: {  	v6 =	vld [tilespmem:$0x190];
	vm1 =	vlt.s32 v1, $0x3E7;
	v0 =	vnsel vm0, $0x3E7, v0  }
0xd1: {  	v7 =	vld [tilespmem:$0x180];
	vm10 =	vlt.s32 v2, $0x3E7;
	v1 =	vnsel vm1, $0x3E7, v1;
	[tilespmem:$0x1F0] =	vst v0  }
0xd2: {  	vm11 =	vlt.s32 v3, $0x3E7;
	v58 =	vnsel vm10, $0x3E7, v2;
	[tilespmem:$0x1E0] =	vst v1  }
0xd3: {  	vm12 =	vlt.s32 v4, $0x3E7;
	v59 =	vnsel vm11, $0x3E7, v3;
	[tilespmem:$0x1D0] =	vst v58  }
0xd4: {  	vm13 =	vlt.s32 v5, $0x3E7;
	v60 =	vnsel vm12, $0x3E7, v4;
	[tilespmem:$0x1C0] =	vst v59  }
0xd5: {  	vm14 =	vlt.s32 v6, $0x3E7;
	v61 =	vnsel vm13, $0x3E7, v5;
	[tilespmem:$0x1B0] =	vst v60  }
0xd6: {  	vm15 =	vlt.s32 v7, $0x3E7;
	v62 =	vnsel vm14, $0x3E7, v6;
	[tilespmem:$0x1A0] =	vst v61  }
0xd7: {  	v63 =	vnsel vm15, $0x3E7, v7;
	[tilespmem:$0x190] =	vst v62  }
0xd8: {  	[tilespmem:$0x180] =	vst v63  }
0xd9: {  	[tilespmem:s25], [sflag:$0x8] =	stream.indirect.gather [spmem:s3], $0x40, s5, s4, $0xb8;
	[tilespmem:$0x91A0] =	vst v63  }
0xda: {  	_ =	swait.ge [sflag:s30], $0x2000  }
0xdb: {  	[sflag:s30] =	ssyncset.done $0x0  }
0xdc: {  	[sflag:s30] =	ssyncadd.s32 $0xFFFFE000  }
0xdd: {  	[hbm4b:s21+s2] =	stream.linear.scatter [tilespmem:s14], [sflag:$0x9], $0x2000, $0x38;
	[tilespmem:$0x91A0] =	vst v63  }
0xde: {  	_ =	swait.ge [sflag:s29], $0x2000  }
0xdf: {  	[sflag:s29] =	ssyncset.done $0x0  }
0xe0: {  	[sflag:s29] =	ssyncadd.s32 $0xFFFFE000  }
0xe1: {  	[hbm4b:s23+s2] =	stream.linear.scatter [tilespmem:s16], [sflag:$0x9], $0x2000, $0x38;
	[tilespmem:$0x91A0] =	vst v63  }
0xe2: {  	_ =	swait.ge [sflag:s28], $0x2000  }
0xe3: {  	[sflag:s28] =	ssyncset.done $0x0  }
0xe4: {  	[sflag:s28] =	ssyncadd.s32 $0xFFFFE000  }
0xe5: {  	[hbm4b:s22+s2] =	stream.linear.scatter [tilespmem:s18], [sflag:$0x9], $0x2000, $0x38;
	[tilespmem:$0x91A0] =	vst v63  }
0xe6: {  	_ =	swait.ge [sflag:s26], $0x2000  }
0xe7: {  	[sflag:s26] =	ssyncset.done $0x0  }
0xe8: {  	[sflag:s26] =	ssyncadd.s32 $0xFFFFE000  }
0xe9: {  	[hbm4b:s24+s2] =	stream.linear.scatter [tilespmem:s25], [sflag:$0x9], $0x2000, $0x38;
	[tilespmem:$0x91A0] =	vst v63  }
0xea: {  	_ =	swait.ge [sflag:s20], $0x2000  }
0xeb: {  	[sflag:s20] =	ssyncset.done $0x0  }
0xec: {  	[sflag:s20] =	ssyncadd.s32 $0xFFFFE000  }
0xed: {  	_ =	swait.ge [sflag:s20], $0x2000  }
0xee: {  	[sflag:s20] =	ssyncset.done $0x0  }
0xef: {  	[sflag:s20] =	ssyncadd.s32 $0xFFFFE000  }
0xf0: {  	_ =	swait.ge [sflag:s20], $0x2000  }
0xf1: {  	[sflag:s20] =	ssyncset.done $0x0  }
0xf2: {  	[sflag:s20] =	ssyncadd.s32 $0xFFFFE000  }
0xf3: {  	_ =	swait.ge [sflag:s20], $0x2000  }
0xf4: {  	[sflag:s20] =	ssyncset.done $0x0  }
0xf5: {  	[sflag:s20] =	ssyncadd.s32 $0xFFFFE000  }
0xf6: {  	_ =	sfence.sel $0x180000  }
0xf7: {  	[bflag:$0x0] =	sbarrier.arrive $0xFFFF  }
0xf8: {  	_ =	strace $0x90000047  }
0xf9: {  	s0 =	stileid.u32;
	[bflag:$0x2] =	sbarrier.arrive $0xFFFF  }
0xfa: {  	p0 =	sne.s32 s0, $0x0;
	s0 =	rddreg [dreg:$0x4]  }
0xfb: {  	s0 =	sadd.s32 @!p0 $0x100000, s0  }
0xfc: {  	[sflag:s0] =	ssyncadd.tile.s32 @!p0 $0x1;
	_ =	shalt  }
.Lfunc_end2:
_tile_overlayer_lowered:
.L_overlay_start_2:
0xfd: {  	(tag) =	ssettag $0x2  }
0xfe: {  	s0 =	rddreg [dreg:$0x0];
	s2 =	stileid.u32  }
0xff: {  	s1 =	rddreg [dreg:$0x1];
	p0 =	sne.s32 s2, $0x0  }
0x100: {  	s3 =	rddreg [dreg:$0x2];
	[bflag:$0x3] =	sbarrier.arrive $0xFFFF;
	s2 =	simm.s32 @!p0 $0x1C0A  }
0x101: {  	[timem:s3], [sflag:s2] =	dma.local @!p0 [hbm:s0], s1  }
0x102: {  	s0 =	simm.s32 @!p0 $0xA  }
0x103: {  	_ =	swait.ge @!p0 [sflag:s0], s1  }
0x104: {  	s1 =	ssub.s32 @!p0 $0x0, s1;
	[sflag:s0] =	ssyncset.done @!p0 $0x0  }
0x105: {  	[sflag:s0] =	ssyncadd.s32 @!p0 s1  }
0x106: {  	[bflag:$0x3] =	sbarrier.arrive $0xFFFF  }
0x107: {  	_ =	shalt  }

</sc_bundles>
